<compile_context>
chip_gen: v7x
topology: tpu7x:2x2x1
jax: 0.10.2.dev20260603
libtpu: 0.0.44.dev20260713+nightly
codegen_flags: <defaults>
</compile_context>

<pallas_src>
import jax
import jax.numpy as jnp
from jax import lax
from jax.experimental import pallas as pl
from jax.experimental.pallas import tpu as pltpu
from jax.experimental.pallas import tpu_sc as plsc

T = 2048
D = 1024
E = 8
F = 2048
BLK = 512
NT_MOE = 16
PMOE = NT_MOE * BLK
NW = 32
ROWS_W = PMOE // NW
TOK_W = T // NW


def _routing_body(x_ref, wg_ref, bg_ref, wa1_ref, ba1_ref, wa2_ref, ba2_ref,
                  mi_ref, mf_ref, oh1_ref, oh2_ref, r1_ref, r2_ref):
    f32 = jnp.float32
    xv = x_ref[...]
    logits = jnp.dot(xv, wg_ref[...], preferred_element_type=f32) + bg_ref[...]
    m = jnp.max(logits, axis=1, keepdims=True)
    ex = jnp.exp(logits - m)
    probs = ex / jnp.sum(ex, axis=1, keepdims=True)

    idx8 = lax.broadcasted_iota(jnp.int32, (T, E), 1).astype(f32)
    m1 = jnp.max(probs, axis=1, keepdims=True)
    i1 = jnp.min(jnp.where(probs >= m1, idx8, float(E)), axis=1, keepdims=True)
    oh1 = (idx8 == i1).astype(f32)
    pr2 = jnp.where(idx8 == i1, -1.0, probs)
    m2 = jnp.max(pr2, axis=1, keepdims=True)
    i2 = jnp.min(jnp.where(pr2 >= m2, idx8, float(E)), axis=1, keepdims=True)
    oh2 = (idx8 == i2).astype(f32)
    oh1_ref[...] = oh1
    oh2_ref[...] = oh2

    xavg = jnp.mean(xv, axis=0, keepdims=True)
    ha = jnp.maximum(
        jnp.dot(xavg, wa1_ref[...], preferred_element_type=f32) + ba1_ref[...], 0.0)
    z = jnp.dot(ha, wa2_ref[...], preferred_element_type=f32) + ba2_ref[...]
    r = 0.5 / (1.0 + jnp.exp(-z))
    sw = m1 + m2
    w1r = (m1 / sw) * r
    w2r = (m2 / sw) * r

    ls = (lax.broadcasted_iota(jnp.int32, (BLK, BLK), 0)
          > lax.broadcasted_iota(jnp.int32, (BLK, BLK), 1)).astype(f32)

    def body(cidx, carry):
        c1t, c2t = carry
        sl = pl.ds(cidx * BLK, BLK)
        b1 = oh1_ref[sl, :]
        b2 = oh2_ref[sl, :]
        cum1 = jnp.dot(ls, b1, preferred_element_type=f32) + c1t
        cum2 = jnp.dot(ls, b2, preferred_element_type=f32) + c2t
        r1_ref[sl, :] = jnp.sum(cum1 * b1, axis=1, keepdims=True)
        r2_ref[sl, :] = jnp.sum(cum2 * b2, axis=1, keepdims=True)
        return (c1t + jnp.sum(b1, axis=0, keepdims=True),
                c2t + jnp.sum(b2, axis=0, keepdims=True))

    c1t, c2t = lax.fori_loop(
        0, T // BLK, body,
        (jnp.zeros((1, E), f32), jnp.zeros((1, E), f32)))

    counts = c1t + c2t
    cap = jnp.floor((counts + float(BLK - 1)) / float(BLK)) * float(BLK)
    up8 = (lax.broadcasted_iota(jnp.int32, (E, E), 0)
           < lax.broadcasted_iota(jnp.int32, (E, E), 1)).astype(f32)
    gs = jnp.dot(cap, up8, preferred_element_type=f32)
    rank2 = r2_ref[...] + jnp.sum(oh2 * c1t, axis=1, keepdims=True)
    pos0 = jnp.sum(oh1 * gs, axis=1, keepdims=True) + r1_ref[...]
    pos1 = jnp.sum(oh2 * gs, axis=1, keepdims=True) + rank2
    jrowi = lax.broadcasted_iota(jnp.int32, (T, 1), 0).astype(f32)
    jrow = jrowi * float(BLK)
    te = jnp.sum((gs <= jrow).astype(f32), axis=1, keepdims=True) - 1.0
    tot = jnp.sum(cap, axis=1, keepdims=True)
    nact = jnp.floor((tot + float(BLK - 1)) / float(BLK))
    va = jnp.minimum(jrowi, nact - 1.0)

    mi_ref[...] = jnp.zeros((T, E), jnp.int32)
    mf_ref[...] = jnp.zeros((T, E), f32)
    mi_ref[:, 0:1] = pos0.astype(jnp.int32)
    mi_ref[:, 1:2] = pos1.astype(jnp.int32)
    mi_ref[:, 2:3] = te.astype(jnp.int32)
    mi_ref[:, 3:4] = va.astype(jnp.int32)
    mf_ref[:, 0:1] = w1r
    mf_ref[:, 1:2] = w2r
    mf_ref[:, 2:3] = (1.0 - r) + jnp.zeros((T, 1), f32)


def _routing(xf, wg, bg, wa1, ba1, wa2, ba2):
    f32 = jnp.float32
    return pl.pallas_call(
        _routing_body,
        out_shape=[jax.ShapeDtypeStruct((T, E), jnp.int32),
                   jax.ShapeDtypeStruct((T, E), f32)],
        scratch_shapes=[pltpu.VMEM((T, E), f32), pltpu.VMEM((T, E), f32),
                        pltpu.VMEM((T, 1), f32), pltpu.VMEM((T, 1), f32)],
    )(xf, wg, bg.reshape(1, E), wa1, ba1.reshape(1, 64), wa2, ba2.reshape(1, 1))


def _scdispatch_body(x_hbm, mi_hbm, xs_hbm, p0b, p1b, mchunk, xbuf, sem, sem2):
    i32 = jnp.int32
    c = lax.axis_index("c")
    s = lax.axis_index("s")
    wid = c * 16 + s
    base = wid * TOK_W
    pltpu.sync_copy(x_hbm.at[pl.ds(base, TOK_W)], xbuf)
    pltpu.sync_copy(mi_hbm.at[pl.ds(base * E, TOK_W * E)], mchunk)
    iota16 = lax.iota(i32, 16)
    for k in range(TOK_W // 16):
        i16 = (iota16 + k * 16) * E
        p0b[pl.ds(k * 16, 16)] = plsc.load_gather(mchunk, [i16])
        p1b[pl.ds(k * 16, 16)] = plsc.load_gather(mchunk, [i16 + 1])
    a = pltpu.async_copy(xbuf, xs_hbm.at[p0b], sem)
    b = pltpu.async_copy(xbuf, xs_hbm.at[p1b], sem2)
    a.wait()
    b.wait()


def _sc_dispatch(xf, mi_flat):
    f32 = jnp.float32
    i32 = jnp.int32
    mesh = plsc.VectorSubcoreMesh(core_axis_name="c", subcore_axis_name="s")
    kfn = pl.kernel(
        _scdispatch_body,
        out_type=jax.ShapeDtypeStruct((PMOE, D), f32),
        mesh=mesh,
        scratch_types=[
            pltpu.VMEM((TOK_W,), i32),
            pltpu.VMEM((TOK_W,), i32),
            pltpu.VMEM((TOK_W * E,), i32),
            pltpu.VMEM((TOK_W, D), f32),
            pltpu.SemaphoreType.DMA,
            pltpu.SemaphoreType.DMA,
        ],
        compiler_params=pltpu.CompilerParams(needs_layout_passes=False),
    )
    return kfn(xf, mi_flat)


def _moe_gemm_body(te_ref, va_ref, xs_ref, w1_ref, b1_ref, w2_ref, b2_ref,
                   out_ref):
    f32 = jnp.float32
    i = pl.program_id(0)

    @pl.when(va_ref[i] == i)
    def _compute():
        h = jnp.maximum(
            jnp.dot(xs_ref[...], w1_ref[0], preferred_element_type=f32)
            + b1_ref[0], 0.0)
        out_ref[...] = (jnp.dot(h, w2_ref[0], preferred_element_type=f32)
                        + b2_ref[0])


def _moe_gemm(te, va, xs, w1, b1, w2, b2):
    grid_spec = pltpu.PrefetchScalarGridSpec(
        num_scalar_prefetch=2,
        grid=(NT_MOE,),
        in_specs=[
            pl.BlockSpec((BLK, D), lambda i, te, va: (va[i], 0)),
            pl.BlockSpec((1, D, F), lambda i, te, va: (te[va[i]], 0, 0)),
            pl.BlockSpec((1, 1, F), lambda i, te, va: (te[va[i]], 0, 0)),
            pl.BlockSpec((1, F, D), lambda i, te, va: (te[va[i]], 0, 0)),
            pl.BlockSpec((1, 1, D), lambda i, te, va: (te[va[i]], 0, 0)),
        ],
        out_specs=pl.BlockSpec((BLK, D), lambda i, te, va: (va[i], 0)),
    )
    return pl.pallas_call(
        _moe_gemm_body,
        grid_spec=grid_spec,
        out_shape=jax.ShapeDtypeStruct((PMOE, D), jnp.float32),
        compiler_params=pltpu.CompilerParams(vmem_limit_bytes=56 * 2**20),
    )(te, va, xs, w1, b1.reshape(E, 1, F), w2, b2.reshape(E, 1, D))


def _dense_body(x_ref, wd1_ref, bd1_ref, wd2_ref, bd2_ref, out_ref):
    f32 = jnp.float32
    h = jnp.maximum(
        jnp.dot(x_ref[...], wd1_ref[...], preferred_element_type=f32)
        + bd1_ref[...], 0.0)
    out_ref[...] = (jnp.dot(h, wd2_ref[...], preferred_element_type=f32)
                    + bd2_ref[...])


def _dense_ffn(xf, wd1, bd1, wd2, bd2):
    return pl.pallas_call(
        _dense_body,
        grid=(T // BLK,),
        in_specs=[
            pl.BlockSpec((BLK, D), lambda i: (i, 0)),
            pl.BlockSpec((D, F), lambda i: (0, 0)),
            pl.BlockSpec((1, F), lambda i: (0, 0)),
            pl.BlockSpec((F, D), lambda i: (0, 0)),
            pl.BlockSpec((1, D), lambda i: (0, 0)),
        ],
        out_specs=pl.BlockSpec((BLK, D), lambda i: (i, 0)),
        out_shape=jax.ShapeDtypeStruct((T, D), jnp.float32),
        compiler_params=pltpu.CompilerParams(vmem_limit_bytes=56 * 2**20),
    )(xf, wd1, bd1.reshape(1, F), wd2, bd2.reshape(1, D))


def _combine_body(yd_ref, g0_ref, g1_ref, mf_ref, out_ref):
    out_ref[...] = (yd_ref[...] * mf_ref[:, 2:3] + g0_ref[...] * mf_ref[:, 0:1]
                    + g1_ref[...] * mf_ref[:, 1:2])


def _combine(yd, g0, g1, mf):
    return pl.pallas_call(
        _combine_body,
        grid=(T // BLK,),
        in_specs=[
            pl.BlockSpec((BLK, D), lambda i: (i, 0)),
            pl.BlockSpec((BLK, D), lambda i: (i, 0)),
            pl.BlockSpec((BLK, D), lambda i: (i, 0)),
            pl.BlockSpec((BLK, E), lambda i: (i, 0)),
        ],
        out_specs=pl.BlockSpec((BLK, D), lambda i: (i, 0)),
        out_shape=jax.ShapeDtypeStruct((T, D), jnp.float32),
    )(yd, g0, g1, mf)


def _pairgather_body(ys_hbm, mi_hbm, g0_hbm, g1_hbm, p0b, p1b, mchunk, buf,
                     sem, sem2):
    i32 = jnp.int32
    c = lax.axis_index("c")
    s = lax.axis_index("s")
    wid = c * 16 + s
    base = wid * TOK_W
    pltpu.sync_copy(mi_hbm.at[pl.ds(base * E, TOK_W * E)], mchunk)
    iota16 = lax.iota(i32, 16)
    for k in range(TOK_W // 16):
        i16 = (iota16 + k * 16) * E
        p0b[pl.ds(k * 16, 16)] = plsc.load_gather(mchunk, [i16])
        p1b[pl.ds(k * 16, 16)] = plsc.load_gather(mchunk, [i16 + 1])
    pltpu.async_copy(ys_hbm.at[p0b], buf, sem).wait()
    pltpu.sync_copy(buf, g0_hbm.at[pl.ds(base, TOK_W)])
    pltpu.async_copy(ys_hbm.at[p1b], buf, sem2).wait()
    pltpu.sync_copy(buf, g1_hbm.at[pl.ds(base, TOK_W)])


def _sc_pairgather(ys, mi_flat):
    f32 = jnp.float32
    i32 = jnp.int32
    mesh = plsc.VectorSubcoreMesh(core_axis_name="c", subcore_axis_name="s")
    kfn = pl.kernel(
        _pairgather_body,
        out_type=(jax.ShapeDtypeStruct((T, D), f32),
                  jax.ShapeDtypeStruct((T, D), f32)),
        mesh=mesh,
        scratch_types=[
            pltpu.VMEM((TOK_W,), i32),
            pltpu.VMEM((TOK_W,), i32),
            pltpu.VMEM((TOK_W * E,), i32),
            pltpu.VMEM((TOK_W, D), f32),
            pltpu.SemaphoreType.DMA,
            pltpu.SemaphoreType.DMA,
        ],
        compiler_params=pltpu.CompilerParams(needs_layout_passes=False),
    )
    return kfn(ys, mi_flat)


def kernel(x, Wg, bg, W1, b1, W2, b2, Wd1, bd1, Wd2, bd2, Wa1, ba1, Wa2, ba2):
    xf = x.reshape(T, D)
    mi, mf = _routing(xf, Wg, bg, Wa1, ba1, Wa2, ba2)
    te = mi[:NT_MOE, 2]
    va = mi[:NT_MOE, 3]
    mif = mi.reshape(T * E)
    xs = _sc_dispatch(xf, mif)
    yd = _dense_ffn(xf, Wd1, bd1, Wd2, bd2)
    ys = _moe_gemm(te, va, xs, W1, b1, W2, b2)
    g0, g1 = _sc_pairgather(ys, mif)
    out = _combine(yd, g0, g1, mf)
    return out.reshape(1, T, D)

# --- scband reference (transcript-rebuilt; emitter-appended) ---
"""Pipeline reference for scband-adaptive-hybrid-mo-e-11330123727005 (READ-ONLY COPY).

The authoritative reference and input builder live on the scoring server;
editing this copy changes nothing except your own understanding.
"""

import jax, jax.numpy as jnp
import numpy as np

B, S, D_MODEL = 1, 2048, 1024
E, TOPK, D_FF = 8, 2, 2048
MOE_RATIO = 0.5


def setup_inputs(seed: int = 0) -> dict:
    key = jax.random.key(seed)
    ks = jax.random.split(key, 16)
    sc = 0.02
    inp = {
        "x": jax.random.normal(ks[0], (B, S, D_MODEL), dtype=jnp.float32),
        "Wg": jax.random.normal(ks[1], (D_MODEL, E), dtype=jnp.float32) * sc,
        "bg": jnp.zeros((E,), dtype=jnp.float32),
        "W1": jax.random.normal(ks[2], (E, D_MODEL, D_FF), dtype=jnp.float32) * sc,
        "b1": jnp.zeros((E, D_FF), dtype=jnp.float32),
        "W2": jax.random.normal(ks[3], (E, D_FF, D_MODEL), dtype=jnp.float32) * sc,
        "b2": jnp.zeros((E, D_MODEL), dtype=jnp.float32),
        "Wd1": jax.random.normal(ks[4], (D_MODEL, D_FF), dtype=jnp.float32) * sc,
        "bd1": jnp.zeros((D_FF,), dtype=jnp.float32),
        "Wd2": jax.random.normal(ks[5], (D_FF, D_MODEL), dtype=jnp.float32) * sc,
        "bd2": jnp.zeros((D_MODEL,), dtype=jnp.float32),
        "Wa1": jax.random.normal(ks[6], (D_MODEL, 64), dtype=jnp.float32) * sc,
        "ba1": jnp.zeros((64,), dtype=jnp.float32),
        "Wa2": jax.random.normal(ks[7], (64, 1), dtype=jnp.float32) * sc,
        "ba2": jnp.zeros((1,), dtype=jnp.float32),
    }
    return inp


def reference(x, Wg, bg, W1, b1, W2, b2, Wd1, bd1, Wd2, bd2, Wa1, ba1, Wa2, ba2):
    Bv, Sv, Dv = x.shape
    # adaptation network on mean-pooled input
    x_avg = jnp.mean(x, axis=1)                               # (B, d)
    ha = jnp.maximum(x_avg @ Wa1 + ba1, 0.0)                  # (B, 64)
    adaptation_signal = jax.nn.sigmoid(ha @ Wa2 + ba2)        # (B, 1)
    adaptation_weights = adaptation_signal[:, None, :]        # (B, 1, 1) -> broadcast over seq
    dynamic_moe_ratio = MOE_RATIO * adaptation_weights
    dynamic_dense_ratio = 1.0 - dynamic_moe_ratio

    # MoE layer: top-k softmax routing over E experts
    xf = x.reshape(-1, Dv)                                    # (T, d)
    logits = xf @ Wg + bg                                     # (T, E)
    probs = jax.nn.softmax(logits, axis=-1)
    top_vals, top_idx = jax.lax.top_k(probs, TOPK)            # (T, k)
    top_vals = top_vals / jnp.sum(top_vals, axis=-1, keepdims=True)
    combine = jnp.sum(jax.nn.one_hot(top_idx, E, dtype=xf.dtype) * top_vals[..., None], axis=1)  # (T, E)

    hE = jnp.maximum(jnp.einsum('td,edf->etf', xf, W1) + b1[:, None, :], 0.0)  # (E, T, d_ff)
    expert_out = jnp.einsum('etf,efd->etd', hE, W2) + b2[:, None, :]           # (E, T, d)
    moe_flat = jnp.einsum('te,etd->td', combine, expert_out)                   # (T, d)
    moe_output = moe_flat.reshape(Bv, Sv, Dv)

    # dense FFN branch
    dense_output = jnp.maximum(x @ Wd1 + bd1, 0.0) @ Wd2 + bd2

    output = dynamic_moe_ratio * moe_output + dynamic_dense_ratio * dense_output
    return output

if __name__ == "__main__":
    import jax
    _d = setup_inputs()
    print(jax.jit(kernel)(*tuple(_d.values())))

</pallas_src>

<mosaic_0001>
#map = affine_map<(d0, d1) -> (0, 0)>
#map1 = affine_map<(d0, d1) -> (0)>
module attributes {stable_mosaic.version = 14 : i64} {
  func.func @_pairgather_body(%arg0: i32, %arg1: i32, %arg2: memref<8192x1024xf32, #tpu.memory_space<hbm>>, %arg3: memref<16384xi32, #tpu.memory_space<hbm>>, %arg4: memref<2048x1024xf32, #tpu.memory_space<hbm>>, %arg5: memref<2048x1024xf32, #tpu.memory_space<hbm>>, %arg6: memref<64xi32, #tpu.memory_space<vmem>>, %arg7: memref<64xi32, #tpu.memory_space<vmem>>, %arg8: memref<512xi32, #tpu.memory_space<vmem>>, %arg9: memref<64x1024xf32, #tpu.memory_space<vmem>>, %arg10: memref<!tpu.dma_semaphore, #tpu.memory_space<semaphore_mem>>, %arg11: memref<!tpu.dma_semaphore, #tpu.memory_space<semaphore_mem>>) attributes {dimension_semantics = [#tpu.dimension_semantics<core_parallel>, #tpu.dimension_semantics<subcore_parallel>], iteration_bounds = array<i64: 2, 16>, scalar_prefetch = 0 : i64, scratch_operands = 6 : i64, tpu.core_type = #tpu.core_type<sc_vector_subcore>, window_params = [{transform_indices = #map}, {transform_indices = #map1}, {transform_indices = #map}, {transform_indices = #map}]} {
    %mul3A = arith.constant 16 : i32
    %mul3A_0 = arith.muli %arg0, %mul3A : i32
    %add3A = arith.addi %mul3A_0, %arg1 : i32
    %mul3A_1 = arith.constant 64 : i32
    %mul3A_2 = arith.muli %add3A, %mul3A_1 : i32
    %mul3A_3 = arith.constant 8 : i32
    %mul3A_4 = arith.muli %mul3A_2, %mul3A_3 : i32
    "tpu.region"() ({
      %run_scoped3A = tpu.sem_alloc : memref<!tpu.dma_semaphore, #tpu.memory_space<semaphore_mem>>
      %dma_start3A_73 = tpu.memref_slice %arg3[%mul3A_4] : memref<16384xi32, #tpu.memory_space<hbm>> -> memref<512xi32, #tpu.memory_space<hbm>>
      %dma_start3A_74 = tpu.memref_slice %arg3[%mul3A_4] : memref<16384xi32, #tpu.memory_space<hbm>> -> memref<512xi32, #tpu.memory_space<hbm>>
      tpu.enqueue_dma source(%dma_start3A_74 : memref<512xi32, #tpu.memory_space<hbm>>) target(%arg8 : memref<512xi32, #tpu.memory_space<vmem>>) target_semaphore(%run_scoped3A : memref<!tpu.dma_semaphore, #tpu.memory_space<semaphore_mem>>)
      %dma_wait3A_75 = tpu.memref_slice %arg3[%mul3A_4] : memref<16384xi32, #tpu.memory_space<hbm>> -> memref<512xi32, #tpu.memory_space<hbm>>
      %dma_wait3A_76 = tpu.memref_slice %arg3[%mul3A_4] : memref<16384xi32, #tpu.memory_space<hbm>> -> memref<512xi32, #tpu.memory_space<hbm>>
      tpu.wait_dma2 semaphore(%run_scoped3A : memref<!tpu.dma_semaphore, #tpu.memory_space<semaphore_mem>>) src(%dma_wait3A_76 : memref<512xi32, #tpu.memory_space<hbm>>) dst(%arg8 : memref<512xi32, #tpu.memory_space<vmem>>)
      tpu.yield
    }) : () -> ()
    %iota3A = tpu.iota {dimensions = array<i32: 0>} : vector<16xi32>
    %add3A_5 = arith.constant 0 : i32
    %add3A_6 = vector.broadcast %add3A_5 : i32 to vector<16xi32>
    %add3A_7 = arith.addi %iota3A, %add3A_6 : vector<16xi32>
    %mul3A_8 = arith.constant 8 : i32
    %mul3A_9 = vector.broadcast %mul3A_8 : i32 to vector<16xi32>
    %mul3A_10 = arith.muli %add3A_7, %mul3A_9 : vector<16xi32>
    %gather3A = tpu.vector_load_idx %arg8[%mul3A_10] : memref<512xi32, #tpu.memory_space<vmem>>[vector<16xi32>], vector<16xi32>,
    %swap3A = arith.constant 0 : index
    %swap3A_11 = tpu.vector_load %arg6[%swap3A] {strides = array<i32>} : memref<64xi32, #tpu.memory_space<vmem>>, vector<16xi32>,
    tpu.vector_store %arg6[%swap3A], %gather3A {strides = array<i32>} : memref<64xi32, #tpu.memory_space<vmem>>, vector<16xi32>,
    %add3A_12 = arith.constant 1 : i32
    %add3A_13 = vector.broadcast %add3A_12 : i32 to vector<16xi32>
    %add3A_14 = arith.addi %mul3A_10, %add3A_13 : vector<16xi32>
    %gather3A_15 = tpu.vector_load_idx %arg8[%add3A_14] : memref<512xi32, #tpu.memory_space<vmem>>[vector<16xi32>], vector<16xi32>,
    %swap3A_16 = arith.constant 0 : index
    %swap3A_17 = tpu.vector_load %arg7[%swap3A_16] {strides = array<i32>} : memref<64xi32, #tpu.memory_space<vmem>>, vector<16xi32>,
    tpu.vector_store %arg7[%swap3A_16], %gather3A_15 {strides = array<i32>} : memref<64xi32, #tpu.memory_space<vmem>>, vector<16xi32>,
    %add3A_18 = arith.constant 16 : i32
    %add3A_19 = vector.broadcast %add3A_18 : i32 to vector<16xi32>
    %add3A_20 = arith.addi %iota3A, %add3A_19 : vector<16xi32>
    %mul3A_21 = arith.constant 8 : i32
    %mul3A_22 = vector.broadcast %mul3A_21 : i32 to vector<16xi32>
    %mul3A_23 = arith.muli %add3A_20, %mul3A_22 : vector<16xi32>
    %gather3A_24 = tpu.vector_load_idx %arg8[%mul3A_23] : memref<512xi32, #tpu.memory_space<vmem>>[vector<16xi32>], vector<16xi32>,
    %swap3A_25 = arith.constant 16 : index
    %swap3A_26 = tpu.vector_load %arg6[%swap3A_25] {strides = array<i32>} : memref<64xi32, #tpu.memory_space<vmem>>, vector<16xi32>,
    tpu.vector_store %arg6[%swap3A_25], %gather3A_24 {strides = array<i32>} : memref<64xi32, #tpu.memory_space<vmem>>, vector<16xi32>,
    %add3A_27 = arith.constant 1 : i32
    %add3A_28 = vector.broadcast %add3A_27 : i32 to vector<16xi32>
    %add3A_29 = arith.addi %mul3A_23, %add3A_28 : vector<16xi32>
    %gather3A_30 = tpu.vector_load_idx %arg8[%add3A_29] : memref<512xi32, #tpu.memory_space<vmem>>[vector<16xi32>], vector<16xi32>,
    %swap3A_31 = arith.constant 16 : index
    %swap3A_32 = tpu.vector_load %arg7[%swap3A_31] {strides = array<i32>} : memref<64xi32, #tpu.memory_space<vmem>>, vector<16xi32>,
    tpu.vector_store %arg7[%swap3A_31], %gather3A_30 {strides = array<i32>} : memref<64xi32, #tpu.memory_space<vmem>>, vector<16xi32>,
    %add3A_33 = arith.constant 32 : i32
    %add3A_34 = vector.broadcast %add3A_33 : i32 to vector<16xi32>
    %add3A_35 = arith.addi %iota3A, %add3A_34 : vector<16xi32>
    %mul3A_36 = arith.constant 8 : i32
    %mul3A_37 = vector.broadcast %mul3A_36 : i32 to vector<16xi32>
    %mul3A_38 = arith.muli %add3A_35, %mul3A_37 : vector<16xi32>
    %gather3A_39 = tpu.vector_load_idx %arg8[%mul3A_38] : memref<512xi32, #tpu.memory_space<vmem>>[vector<16xi32>], vector<16xi32>,
    %swap3A_40 = arith.constant 32 : index
    %swap3A_41 = tpu.vector_load %arg6[%swap3A_40] {strides = array<i32>} : memref<64xi32, #tpu.memory_space<vmem>>, vector<16xi32>,
    tpu.vector_store %arg6[%swap3A_40], %gather3A_39 {strides = array<i32>} : memref<64xi32, #tpu.memory_space<vmem>>, vector<16xi32>,
    %add3A_42 = arith.constant 1 : i32
    %add3A_43 = vector.broadcast %add3A_42 : i32 to vector<16xi32>
    %add3A_44 = arith.addi %mul3A_38, %add3A_43 : vector<16xi32>
    %gather3A_45 = tpu.vector_load_idx %arg8[%add3A_44] : memref<512xi32, #tpu.memory_space<vmem>>[vector<16xi32>], vector<16xi32>,
    %swap3A_46 = arith.constant 32 : index
    %swap3A_47 = tpu.vector_load %arg7[%swap3A_46] {strides = array<i32>} : memref<64xi32, #tpu.memory_space<vmem>>, vector<16xi32>,
    tpu.vector_store %arg7[%swap3A_46], %gather3A_45 {strides = array<i32>} : memref<64xi32, #tpu.memory_space<vmem>>, vector<16xi32>,
    %add3A_48 = arith.constant 48 : i32
    %add3A_49 = vector.broadcast %add3A_48 : i32 to vector<16xi32>
    %add3A_50 = arith.addi %iota3A, %add3A_49 : vector<16xi32>
    %mul3A_51 = arith.constant 8 : i32
    %mul3A_52 = vector.broadcast %mul3A_51 : i32 to vector<16xi32>
    %mul3A_53 = arith.muli %add3A_50, %mul3A_52 : vector<16xi32>
    %gather3A_54 = tpu.vector_load_idx %arg8[%mul3A_53] : memref<512xi32, #tpu.memory_space<vmem>>[vector<16xi32>], vector<16xi32>,
    %swap3A_55 = arith.constant 48 : index
    %swap3A_56 = tpu.vector_load %arg6[%swap3A_55] {strides = array<i32>} : memref<64xi32, #tpu.memory_space<vmem>>, vector<16xi32>,
    tpu.vector_store %arg6[%swap3A_55], %gather3A_54 {strides = array<i32>} : memref<64xi32, #tpu.memory_space<vmem>>, vector<16xi32>,
    %add3A_57 = arith.constant 1 : i32
    %add3A_58 = vector.broadcast %add3A_57 : i32 to vector<16xi32>
    %add3A_59 = arith.addi %mul3A_53, %add3A_58 : vector<16xi32>
    %gather3A_60 = tpu.vector_load_idx %arg8[%add3A_59] : memref<512xi32, #tpu.memory_space<vmem>>[vector<16xi32>], vector<16xi32>,
    %swap3A_61 = arith.constant 48 : index
    %swap3A_62 = tpu.vector_load %arg7[%swap3A_61] {strides = array<i32>} : memref<64xi32, #tpu.memory_space<vmem>>, vector<16xi32>,
    tpu.vector_store %arg7[%swap3A_61], %gather3A_60 {strides = array<i32>} : memref<64xi32, #tpu.memory_space<vmem>>, vector<16xi32>,
    %dma_start3A = arith.constant 0 : i32
    %dma_start3A_63 = arith.constant 0 : i32
    %dma_start3A_64 = tpu.memref_slice %arg2[%dma_start3A, %dma_start3A_63] : memref<8192x1024xf32, #tpu.memory_space<hbm>> -> memref<8192x1024xf32, #tpu.memory_space<hbm>>
    tpu.enqueue_indirect_dma source(%dma_start3A_64 : memref<8192x1024xf32, #tpu.memory_space<hbm>>) target(%arg9 : memref<64x1024xf32, #tpu.memory_space<vmem>>) offsets(%arg6 : memref<64xi32, #tpu.memory_space<vmem>>) semaphore(%arg10 : memref<!tpu.dma_semaphore, #tpu.memory_space<semaphore_mem>>)
    %dma_wait3A = arith.constant 0 : i32
    %dma_wait3A_65 = arith.constant 0 : i32
    %dma_wait3A_66 = tpu.memref_slice %arg2[%dma_wait3A, %dma_wait3A_65] : memref<8192x1024xf32, #tpu.memory_space<hbm>> -> memref<8192x1024xf32, #tpu.memory_space<hbm>>
    tpu.wait_indirect_dma semaphore(%arg10 : memref<!tpu.dma_semaphore, #tpu.memory_space<semaphore_mem>>) src(%dma_wait3A_66 : memref<8192x1024xf32, #tpu.memory_space<hbm>>) dst(%arg9 : memref<64x1024xf32, #tpu.memory_space<vmem>>)
    "tpu.region"() ({
      %run_scoped3A = tpu.sem_alloc : memref<!tpu.dma_semaphore, #tpu.memory_space<semaphore_mem>>
      %dma_start3A_73 = arith.constant 0 : i32
      %dma_start3A_74 = tpu.memref_slice %arg4[%mul3A_2, %dma_start3A_73] : memref<2048x1024xf32, #tpu.memory_space<hbm>> -> memref<64x1024xf32, #tpu.memory_space<hbm>>
      %dma_start3A_75 = arith.constant 0 : i32
      %dma_start3A_76 = tpu.memref_slice %arg4[%mul3A_2, %dma_start3A_75] : memref<2048x1024xf32, #tpu.memory_space<hbm>> -> memref<64x1024xf32, #tpu.memory_space<hbm>>
      tpu.enqueue_dma source(%arg9 : memref<64x1024xf32, #tpu.memory_space<vmem>>) target(%dma_start3A_76 : memref<64x1024xf32, #tpu.memory_space<hbm>>) target_semaphore(%run_scoped3A : memref<!tpu.dma_semaphore, #tpu.memory_space<semaphore_mem>>)
      %dma_wait3A_77 = arith.constant 0 : i32
      %dma_wait3A_78 = tpu.memref_slice %arg4[%mul3A_2, %dma_wait3A_77] : memref<2048x1024xf32, #tpu.memory_space<hbm>> -> memref<64x1024xf32, #tpu.memory_space<hbm>>
      %dma_wait3A_79 = arith.constant 0 : i32
      %dma_wait3A_80 = tpu.memref_slice %arg4[%mul3A_2, %dma_wait3A_79] : memref<2048x1024xf32, #tpu.memory_space<hbm>> -> memref<64x1024xf32, #tpu.memory_space<hbm>>
      tpu.wait_dma2 semaphore(%run_scoped3A : memref<!tpu.dma_semaphore, #tpu.memory_space<semaphore_mem>>) src(%arg9 : memref<64x1024xf32, #tpu.memory_space<vmem>>) dst(%dma_wait3A_80 : memref<64x1024xf32, #tpu.memory_space<hbm>>)
      tpu.yield
    }) : () -> ()
    %dma_start3A_67 = arith.constant 0 : i32
    %dma_start3A_68 = arith.constant 0 : i32
    %dma_start3A_69 = tpu.memref_slice %arg2[%dma_start3A_67, %dma_start3A_68] : memref<8192x1024xf32, #tpu.memory_space<hbm>> -> memref<8192x1024xf32, #tpu.memory_space<hbm>>
    tpu.enqueue_indirect_dma source(%dma_start3A_69 : memref<8192x1024xf32, #tpu.memory_space<hbm>>) target(%arg9 : memref<64x1024xf32, #tpu.memory_space<vmem>>) offsets(%arg7 : memref<64xi32, #tpu.memory_space<vmem>>) semaphore(%arg11 : memref<!tpu.dma_semaphore, #tpu.memory_space<semaphore_mem>>)
    %dma_wait3A_70 = arith.constant 0 : i32
    %dma_wait3A_71 = arith.constant 0 : i32
    %dma_wait3A_72 = tpu.memref_slice %arg2[%dma_wait3A_70, %dma_wait3A_71] : memref<8192x1024xf32, #tpu.memory_space<hbm>> -> memref<8192x1024xf32, #tpu.memory_space<hbm>>
    tpu.wait_indirect_dma semaphore(%arg11 : memref<!tpu.dma_semaphore, #tpu.memory_space<semaphore_mem>>) src(%dma_wait3A_72 : memref<8192x1024xf32, #tpu.memory_space<hbm>>) dst(%arg9 : memref<64x1024xf32, #tpu.memory_space<vmem>>)
    "tpu.region"() ({
      %run_scoped3A = tpu.sem_alloc : memref<!tpu.dma_semaphore, #tpu.memory_space<semaphore_mem>>
      %dma_start3A_73 = arith.constant 0 : i32
      %dma_start3A_74 = tpu.memref_slice %arg5[%mul3A_2, %dma_start3A_73] : memref<2048x1024xf32, #tpu.memory_space<hbm>> -> memref<64x1024xf32, #tpu.memory_space<hbm>>
      %dma_start3A_75 = arith.constant 0 : i32
      %dma_start3A_76 = tpu.memref_slice %arg5[%mul3A_2, %dma_start3A_75] : memref<2048x1024xf32, #tpu.memory_space<hbm>> -> memref<64x1024xf32, #tpu.memory_space<hbm>>
      tpu.enqueue_dma source(%arg9 : memref<64x1024xf32, #tpu.memory_space<vmem>>) target(%dma_start3A_76 : memref<64x1024xf32, #tpu.memory_space<hbm>>) target_semaphore(%run_scoped3A : memref<!tpu.dma_semaphore, #tpu.memory_space<semaphore_mem>>)
      %dma_wait3A_77 = arith.constant 0 : i32
      %dma_wait3A_78 = tpu.memref_slice %arg5[%mul3A_2, %dma_wait3A_77] : memref<2048x1024xf32, #tpu.memory_space<hbm>> -> memref<64x1024xf32, #tpu.memory_space<hbm>>
      %dma_wait3A_79 = arith.constant 0 : i32
      %dma_wait3A_80 = tpu.memref_slice %arg5[%mul3A_2, %dma_wait3A_79] : memref<2048x1024xf32, #tpu.memory_space<hbm>> -> memref<64x1024xf32, #tpu.memory_space<hbm>>
      tpu.wait_dma2 semaphore(%run_scoped3A : memref<!tpu.dma_semaphore, #tpu.memory_space<semaphore_mem>>) src(%arg9 : memref<64x1024xf32, #tpu.memory_space<vmem>>) dst(%dma_wait3A_80 : memref<64x1024xf32, #tpu.memory_space<hbm>>)
      tpu.yield
    }) : () -> ()
    return
  }
}

#map = affine_map<(d0, d1) -> (0, 0)>
#map1 = affine_map<(d0, d1) -> (0)>
module attributes {stable_mosaic.version = 14 : i64} {
  func.func @_scdispatch_body(%arg0: i32, %arg1: i32, %arg2: memref<2048x1024xf32, #tpu.memory_space<hbm>>, %arg3: memref<16384xi32, #tpu.memory_space<hbm>>, %arg4: memref<8192x1024xf32, #tpu.memory_space<hbm>>, %arg5: memref<64xi32, #tpu.memory_space<vmem>>, %arg6: memref<64xi32, #tpu.memory_space<vmem>>, %arg7: memref<512xi32, #tpu.memory_space<vmem>>, %arg8: memref<64x1024xf32, #tpu.memory_space<vmem>>, %arg9: memref<!tpu.dma_semaphore, #tpu.memory_space<semaphore_mem>>, %arg10: memref<!tpu.dma_semaphore, #tpu.memory_space<semaphore_mem>>) attributes {dimension_semantics = [#tpu.dimension_semantics<core_parallel>, #tpu.dimension_semantics<subcore_parallel>], iteration_bounds = array<i64: 2, 16>, scalar_prefetch = 0 : i64, scratch_operands = 6 : i64, tpu.core_type = #tpu.core_type<sc_vector_subcore>, window_params = [{transform_indices = #map}, {transform_indices = #map1}, {transform_indices = #map}]} {
    %mul3A = arith.constant 16 : i32
    %mul3A_0 = arith.muli %arg0, %mul3A : i32
    %add3A = arith.addi %mul3A_0, %arg1 : i32
    %mul3A_1 = arith.constant 64 : i32
    %mul3A_2 = arith.muli %add3A, %mul3A_1 : i32
    "tpu.region"() ({
      %run_scoped3A = tpu.sem_alloc : memref<!tpu.dma_semaphore, #tpu.memory_space<semaphore_mem>>
      %dma_start3A_73 = arith.constant 0 : i32
      %dma_start3A_74 = tpu.memref_slice %arg2[%mul3A_2, %dma_start3A_73] : memref<2048x1024xf32, #tpu.memory_space<hbm>> -> memref<64x1024xf32, #tpu.memory_space<hbm>>
      %dma_start3A_75 = arith.constant 0 : i32
      %dma_start3A_76 = tpu.memref_slice %arg2[%mul3A_2, %dma_start3A_75] : memref<2048x1024xf32, #tpu.memory_space<hbm>> -> memref<64x1024xf32, #tpu.memory_space<hbm>>
      tpu.enqueue_dma source(%dma_start3A_76 : memref<64x1024xf32, #tpu.memory_space<hbm>>) target(%arg8 : memref<64x1024xf32, #tpu.memory_space<vmem>>) target_semaphore(%run_scoped3A : memref<!tpu.dma_semaphore, #tpu.memory_space<semaphore_mem>>)
      %dma_wait3A_77 = arith.constant 0 : i32
      %dma_wait3A_78 = tpu.memref_slice %arg2[%mul3A_2, %dma_wait3A_77] : memref<2048x1024xf32, #tpu.memory_space<hbm>> -> memref<64x1024xf32, #tpu.memory_space<hbm>>
      %dma_wait3A_79 = arith.constant 0 : i32
      %dma_wait3A_80 = tpu.memref_slice %arg2[%mul3A_2, %dma_wait3A_79] : memref<2048x1024xf32, #tpu.memory_space<hbm>> -> memref<64x1024xf32, #tpu.memory_space<hbm>>
      tpu.wait_dma2 semaphore(%run_scoped3A : memref<!tpu.dma_semaphore, #tpu.memory_space<semaphore_mem>>) src(%dma_wait3A_80 : memref<64x1024xf32, #tpu.memory_space<hbm>>) dst(%arg8 : memref<64x1024xf32, #tpu.memory_space<vmem>>)
      tpu.yield
    }) : () -> ()
    %mul3A_3 = arith.constant 8 : i32
    %mul3A_4 = arith.muli %mul3A_2, %mul3A_3 : i32
    "tpu.region"() ({
      %run_scoped3A = tpu.sem_alloc : memref<!tpu.dma_semaphore, #tpu.memory_space<semaphore_mem>>
      %dma_start3A_73 = tpu.memref_slice %arg3[%mul3A_4] : memref<16384xi32, #tpu.memory_space<hbm>> -> memref<512xi32, #tpu.memory_space<hbm>>
      %dma_start3A_74 = tpu.memref_slice %arg3[%mul3A_4] : memref<16384xi32, #tpu.memory_space<hbm>> -> memref<512xi32, #tpu.memory_space<hbm>>
      tpu.enqueue_dma source(%dma_start3A_74 : memref<512xi32, #tpu.memory_space<hbm>>) target(%arg7 : memref<512xi32, #tpu.memory_space<vmem>>) target_semaphore(%run_scoped3A : memref<!tpu.dma_semaphore, #tpu.memory_space<semaphore_mem>>)
      %dma_wait3A_75 = tpu.memref_slice %arg3[%mul3A_4] : memref<16384xi32, #tpu.memory_space<hbm>> -> memref<512xi32, #tpu.memory_space<hbm>>
      %dma_wait3A_76 = tpu.memref_slice %arg3[%mul3A_4] : memref<16384xi32, #tpu.memory_space<hbm>> -> memref<512xi32, #tpu.memory_space<hbm>>
      tpu.wait_dma2 semaphore(%run_scoped3A : memref<!tpu.dma_semaphore, #tpu.memory_space<semaphore_mem>>) src(%dma_wait3A_76 : memref<512xi32, #tpu.memory_space<hbm>>) dst(%arg7 : memref<512xi32, #tpu.memory_space<vmem>>)
      tpu.yield
    }) : () -> ()
    %iota3A = tpu.iota {dimensions = array<i32: 0>} : vector<16xi32>
    %add3A_5 = arith.constant 0 : i32
    %add3A_6 = vector.broadcast %add3A_5 : i32 to vector<16xi32>
    %add3A_7 = arith.addi %iota3A, %add3A_6 : vector<16xi32>
    %mul3A_8 = arith.constant 8 : i32
    %mul3A_9 = vector.broadcast %mul3A_8 : i32 to vector<16xi32>
    %mul3A_10 = arith.muli %add3A_7, %mul3A_9 : vector<16xi32>
    %gather3A = tpu.vector_load_idx %arg7[%mul3A_10] : memref<512xi32, #tpu.memory_space<vmem>>[vector<16xi32>], vector<16xi32>,
    %swap3A = arith.constant 0 : index
    %swap3A_11 = tpu.vector_load %arg5[%swap3A] {strides = array<i32>} : memref<64xi32, #tpu.memory_space<vmem>>, vector<16xi32>,
    tpu.vector_store %arg5[%swap3A], %gather3A {strides = array<i32>} : memref<64xi32, #tpu.memory_space<vmem>>, vector<16xi32>,
    %add3A_12 = arith.constant 1 : i32
    %add3A_13 = vector.broadcast %add3A_12 : i32 to vector<16xi32>
    %add3A_14 = arith.addi %mul3A_10, %add3A_13 : vector<16xi32>
    %gather3A_15 = tpu.vector_load_idx %arg7[%add3A_14] : memref<512xi32, #tpu.memory_space<vmem>>[vector<16xi32>], vector<16xi32>,
    %swap3A_16 = arith.constant 0 : index
    %swap3A_17 = tpu.vector_load %arg6[%swap3A_16] {strides = array<i32>} : memref<64xi32, #tpu.memory_space<vmem>>, vector<16xi32>,
    tpu.vector_store %arg6[%swap3A_16], %gather3A_15 {strides = array<i32>} : memref<64xi32, #tpu.memory_space<vmem>>, vector<16xi32>,
    %add3A_18 = arith.constant 16 : i32
    %add3A_19 = vector.broadcast %add3A_18 : i32 to vector<16xi32>
    %add3A_20 = arith.addi %iota3A, %add3A_19 : vector<16xi32>
    %mul3A_21 = arith.constant 8 : i32
    %mul3A_22 = vector.broadcast %mul3A_21 : i32 to vector<16xi32>
    %mul3A_23 = arith.muli %add3A_20, %mul3A_22 : vector<16xi32>
    %gather3A_24 = tpu.vector_load_idx %arg7[%mul3A_23] : memref<512xi32, #tpu.memory_space<vmem>>[vector<16xi32>], vector<16xi32>,
    %swap3A_25 = arith.constant 16 : index
    %swap3A_26 = tpu.vector_load %arg5[%swap3A_25] {strides = array<i32>} : memref<64xi32, #tpu.memory_space<vmem>>, vector<16xi32>,
    tpu.vector_store %arg5[%swap3A_25], %gather3A_24 {strides = array<i32>} : memref<64xi32, #tpu.memory_space<vmem>>, vector<16xi32>,
    %add3A_27 = arith.constant 1 : i32
    %add3A_28 = vector.broadcast %add3A_27 : i32 to vector<16xi32>
    %add3A_29 = arith.addi %mul3A_23, %add3A_28 : vector<16xi32>
    %gather3A_30 = tpu.vector_load_idx %arg7[%add3A_29] : memref<512xi32, #tpu.memory_space<vmem>>[vector<16xi32>], vector<16xi32>,
    %swap3A_31 = arith.constant 16 : index
    %swap3A_32 = tpu.vector_load %arg6[%swap3A_31] {strides = array<i32>} : memref<64xi32, #tpu.memory_space<vmem>>, vector<16xi32>,
    tpu.vector_store %arg6[%swap3A_31], %gather3A_30 {strides = array<i32>} : memref<64xi32, #tpu.memory_space<vmem>>, vector<16xi32>,
    %add3A_33 = arith.constant 32 : i32
    %add3A_34 = vector.broadcast %add3A_33 : i32 to vector<16xi32>
    %add3A_35 = arith.addi %iota3A, %add3A_34 : vector<16xi32>
    %mul3A_36 = arith.constant 8 : i32
    %mul3A_37 = vector.broadcast %mul3A_36 : i32 to vector<16xi32>
    %mul3A_38 = arith.muli %add3A_35, %mul3A_37 : vector<16xi32>
    %gather3A_39 = tpu.vector_load_idx %arg7[%mul3A_38] : memref<512xi32, #tpu.memory_space<vmem>>[vector<16xi32>], vector<16xi32>,
    %swap3A_40 = arith.constant 32 : index
    %swap3A_41 = tpu.vector_load %arg5[%swap3A_40] {strides = array<i32>} : memref<64xi32, #tpu.memory_space<vmem>>, vector<16xi32>,
    tpu.vector_store %arg5[%swap3A_40], %gather3A_39 {strides = array<i32>} : memref<64xi32, #tpu.memory_space<vmem>>, vector<16xi32>,
    %add3A_42 = arith.constant 1 : i32
    %add3A_43 = vector.broadcast %add3A_42 : i32 to vector<16xi32>
    %add3A_44 = arith.addi %mul3A_38, %add3A_43 : vector<16xi32>
    %gather3A_45 = tpu.vector_load_idx %arg7[%add3A_44] : memref<512xi32, #tpu.memory_space<vmem>>[vector<16xi32>], vector<16xi32>,
    %swap3A_46 = arith.constant 32 : index
    %swap3A_47 = tpu.vector_load %arg6[%swap3A_46] {strides = array<i32>} : memref<64xi32, #tpu.memory_space<vmem>>, vector<16xi32>,
    tpu.vector_store %arg6[%swap3A_46], %gather3A_45 {strides = array<i32>} : memref<64xi32, #tpu.memory_space<vmem>>, vector<16xi32>,
    %add3A_48 = arith.constant 48 : i32
    %add3A_49 = vector.broadcast %add3A_48 : i32 to vector<16xi32>
    %add3A_50 = arith.addi %iota3A, %add3A_49 : vector<16xi32>
    %mul3A_51 = arith.constant 8 : i32
    %mul3A_52 = vector.broadcast %mul3A_51 : i32 to vector<16xi32>
    %mul3A_53 = arith.muli %add3A_50, %mul3A_52 : vector<16xi32>
    %gather3A_54 = tpu.vector_load_idx %arg7[%mul3A_53] : memref<512xi32, #tpu.memory_space<vmem>>[vector<16xi32>], vector<16xi32>,
    %swap3A_55 = arith.constant 48 : index
    %swap3A_56 = tpu.vector_load %arg5[%swap3A_55] {strides = array<i32>} : memref<64xi32, #tpu.memory_space<vmem>>, vector<16xi32>,
    tpu.vector_store %arg5[%swap3A_55], %gather3A_54 {strides = array<i32>} : memref<64xi32, #tpu.memory_space<vmem>>, vector<16xi32>,
    %add3A_57 = arith.constant 1 : i32
    %add3A_58 = vector.broadcast %add3A_57 : i32 to vector<16xi32>
    %add3A_59 = arith.addi %mul3A_53, %add3A_58 : vector<16xi32>
    %gather3A_60 = tpu.vector_load_idx %arg7[%add3A_59] : memref<512xi32, #tpu.memory_space<vmem>>[vector<16xi32>], vector<16xi32>,
    %swap3A_61 = arith.constant 48 : index
    %swap3A_62 = tpu.vector_load %arg6[%swap3A_61] {strides = array<i32>} : memref<64xi32, #tpu.memory_space<vmem>>, vector<16xi32>,
    tpu.vector_store %arg6[%swap3A_61], %gather3A_60 {strides = array<i32>} : memref<64xi32, #tpu.memory_space<vmem>>, vector<16xi32>,
    %dma_start3A = arith.constant 0 : i32
    %dma_start3A_63 = arith.constant 0 : i32
    %dma_start3A_64 = tpu.memref_slice %arg4[%dma_start3A, %dma_start3A_63] : memref<8192x1024xf32, #tpu.memory_space<hbm>> -> memref<8192x1024xf32, #tpu.memory_space<hbm>>
    tpu.enqueue_indirect_dma source(%arg8 : memref<64x1024xf32, #tpu.memory_space<vmem>>) target(%dma_start3A_64 : memref<8192x1024xf32, #tpu.memory_space<hbm>>) offsets(%arg5 : memref<64xi32, #tpu.memory_space<vmem>>) semaphore(%arg9 : memref<!tpu.dma_semaphore, #tpu.memory_space<semaphore_mem>>)
    %dma_start3A_65 = arith.constant 0 : i32
    %dma_start3A_66 = arith.constant 0 : i32
    %dma_start3A_67 = tpu.memref_slice %arg4[%dma_start3A_65, %dma_start3A_66] : memref<8192x1024xf32, #tpu.memory_space<hbm>> -> memref<8192x1024xf32, #tpu.memory_space<hbm>>
    tpu.enqueue_indirect_dma source(%arg8 : memref<64x1024xf32, #tpu.memory_space<vmem>>) target(%dma_start3A_67 : memref<8192x1024xf32, #tpu.memory_space<hbm>>) offsets(%arg6 : memref<64xi32, #tpu.memory_space<vmem>>) semaphore(%arg10 : memref<!tpu.dma_semaphore, #tpu.memory_space<semaphore_mem>>)
    %dma_wait3A = arith.constant 0 : i32
    %dma_wait3A_68 = arith.constant 0 : i32
    %dma_wait3A_69 = tpu.memref_slice %arg4[%dma_wait3A, %dma_wait3A_68] : memref<8192x1024xf32, #tpu.memory_space<hbm>> -> memref<8192x1024xf32, #tpu.memory_space<hbm>>
    tpu.wait_indirect_dma semaphore(%arg9 : memref<!tpu.dma_semaphore, #tpu.memory_space<semaphore_mem>>) src(%arg8 : memref<64x1024xf32, #tpu.memory_space<vmem>>) dst(%dma_wait3A_69 : memref<8192x1024xf32, #tpu.memory_space<hbm>>)
    %dma_wait3A_70 = arith.constant 0 : i32
    %dma_wait3A_71 = arith.constant 0 : i32
    %dma_wait3A_72 = tpu.memref_slice %arg4[%dma_wait3A_70, %dma_wait3A_71] : memref<8192x1024xf32, #tpu.memory_space<hbm>> -> memref<8192x1024xf32, #tpu.memory_space<hbm>>
    tpu.wait_indirect_dma semaphore(%arg10 : memref<!tpu.dma_semaphore, #tpu.memory_space<semaphore_mem>>) src(%arg8 : memref<64x1024xf32, #tpu.memory_space<vmem>>) dst(%dma_wait3A_72 : memref<8192x1024xf32, #tpu.memory_space<hbm>>)
    return
  }
}

module attributes {stable_mosaic.version = 14 : i64} {
  func.func @_routing_body(%arg0: memref<2048x1024xf32, #tpu.memory_space<vmem>>, %arg1: memref<1024x8xf32, #tpu.memory_space<vmem>>, %arg2: memref<1x8xf32, #tpu.memory_space<vmem>>, %arg3: memref<1024x64xf32, #tpu.memory_space<vmem>>, %arg4: memref<1x64xf32, #tpu.memory_space<vmem>>, %arg5: memref<64x1xf32, #tpu.memory_space<vmem>>, %arg6: memref<1x1xf32, #tpu.memory_space<vmem>>, %arg7: memref<2048x8xi32, #tpu.memory_space<vmem>>, %arg8: memref<2048x8xf32, #tpu.memory_space<vmem>>, %arg9: memref<2048x8xf32, #tpu.memory_space<vmem>>, %arg10: memref<2048x8xf32, #tpu.memory_space<vmem>>, %arg11: memref<2048x1xf32, #tpu.memory_space<vmem>>, %arg12: memref<2048x1xf32, #tpu.memory_space<vmem>>) attributes {dimension_semantics = [], scalar_prefetch = 0 : i64, scratch_operands = 4 : i64, tpu.core_type = #tpu.core_type<tc>} {
    %get3A = arith.constant 0 : index
    %get3A_0 = arith.constant 0 : index
    %get3A_1 = vector.load %arg0[%get3A, %get3A_0] : memref<2048x1024xf32, #tpu.memory_space<vmem>>, vector<2048x1024xf32>
    %get3A_2 = arith.constant 0 : index
    %get3A_3 = arith.constant 0 : index
    %get3A_4 = vector.load %arg1[%get3A_2, %get3A_3] : memref<1024x8xf32, #tpu.memory_space<vmem>>, vector<1024x8xf32>
    %dot_general3A = arith.constant dense<0.000000e+00> : vector<2048x8xf32>
    %dot_general3A_5 = tpu.matmul %get3A_1, %get3A_4, %dot_general3A {dimension_numbers = #tpu.dot_dimension_numbers<[1], [0], [0], [1], [0, 0, 1, 1], [], []>, transpose_lhs_hint = false} : vector<2048x1024xf32>, vector<1024x8xf32>, vector<2048x8xf32> -> vector<2048x8xf32>
    %get3A_6 = arith.constant 0 : index
    %get3A_7 = arith.constant 0 : index
    %get3A_8 = vector.load %arg2[%get3A_6, %get3A_7] : memref<1x8xf32, #tpu.memory_space<vmem>>, vector<1x8xf32>
    %add3A = vector.broadcast %get3A_8 : vector<1x8xf32> to vector<2048x8xf32>
    %add3A_9 = arith.addf %dot_general3A_5, %add3A : vector<2048x8xf32>
    %reduce_max3A = arith.constant dense<0xFF800000> : vector<2048xf32>
    %reduce_max3A_10 = vector.multi_reduction <maximumf>, %add3A_9, %reduce_max3A [1] : vector<2048x8xf32> to vector<2048xf32>
    %broadcast_in_dim3A = vector.shape_cast %reduce_max3A_10 : vector<2048xf32> to vector<2048x1xf32>
    %sub3A = vector.broadcast %broadcast_in_dim3A : vector<2048x1xf32> to vector<2048x8xf32>
    %sub3A_11 = arith.subf %add3A_9, %sub3A : vector<2048x8xf32>
    %exp3A = math.exp %sub3A_11 : vector<2048x8xf32>
    %reduce_sum3A = arith.constant dense<0.000000e+00> : vector<2048xf32>
    %reduce_sum3A_12 = vector.multi_reduction <add>, %exp3A, %reduce_sum3A [1] : vector<2048x8xf32> to vector<2048xf32>
    %broadcast_in_dim3A_13 = vector.shape_cast %reduce_sum3A_12 : vector<2048xf32> to vector<2048x1xf32>
    %div3A = vector.broadcast %broadcast_in_dim3A_13 : vector<2048x1xf32> to vector<2048x8xf32>
    %div3A_14 = arith.divf %exp3A, %div3A : vector<2048x8xf32>
    %iota3A = tpu.iota {dimensions = array<i32: 1>} : vector<2048x8xi32>
    %convert_element_type3A = arith.sitofp %iota3A : vector<2048x8xi32> to vector<2048x8xf32>
    %reduce_max3A_15 = arith.constant dense<0xFF800000> : vector<2048xf32>
    %reduce_max3A_16 = vector.multi_reduction <maximumf>, %div3A_14, %reduce_max3A_15 [1] : vector<2048x8xf32> to vector<2048xf32>
    %broadcast_in_dim3A_17 = vector.shape_cast %reduce_max3A_16 : vector<2048xf32> to vector<2048x1xf32>
    %ge3A = vector.broadcast %broadcast_in_dim3A_17 : vector<2048x1xf32> to vector<2048x8xf32>
    %ge3A_18 = arith.cmpf oge, %div3A_14, %ge3A : vector<2048x8xf32>
    %jit3A = arith.constant 8.000000e+00 : f32
    %broadcast_in_dim3A_19 = vector.broadcast %jit3A : f32 to vector<2048x8xf32>
    %select_n3A = arith.select %ge3A_18, %convert_element_type3A, %broadcast_in_dim3A_19 : vector<2048x8xi1>, vector<2048x8xf32>
    %reduce_min3A = arith.constant dense<0x7F800000> : vector<2048xf32>
    %reduce_min3A_20 = vector.multi_reduction <minimumf>, %select_n3A, %reduce_min3A [1] : vector<2048x8xf32> to vector<2048xf32>
    %broadcast_in_dim3A_21 = vector.shape_cast %reduce_min3A_20 : vector<2048xf32> to vector<2048x1xf32>
    %eq3A = vector.broadcast %broadcast_in_dim3A_21 : vector<2048x1xf32> to vector<2048x8xf32>
    %eq3A_22 = arith.cmpf oeq, %convert_element_type3A, %eq3A : vector<2048x8xf32>
    %convert_element_type3A_23 = arith.extui %eq3A_22 : vector<2048x8xi1> to vector<2048x8xi32>
    %convert_element_type3A_24 = arith.sitofp %convert_element_type3A_23 : vector<2048x8xi32> to vector<2048x8xf32>
    %eq3A_25 = vector.broadcast %broadcast_in_dim3A_21 : vector<2048x1xf32> to vector<2048x8xf32>
    %eq3A_26 = arith.cmpf oeq, %convert_element_type3A, %eq3A_25 : vector<2048x8xf32>
    %jit3A_27 = arith.constant -1.000000e+00 : f32
    %broadcast_in_dim3A_28 = vector.broadcast %jit3A_27 : f32 to vector<2048x8xf32>
    %select_n3A_29 = arith.select %eq3A_26, %broadcast_in_dim3A_28, %div3A_14 : vector<2048x8xi1>, vector<2048x8xf32>
    %reduce_max3A_30 = arith.constant dense<0xFF800000> : vector<2048xf32>
    %reduce_max3A_31 = vector.multi_reduction <maximumf>, %select_n3A_29, %reduce_max3A_30 [1] : vector<2048x8xf32> to vector<2048xf32>
    %broadcast_in_dim3A_32 = vector.shape_cast %reduce_max3A_31 : vector<2048xf32> to vector<2048x1xf32>
    %ge3A_33 = vector.broadcast %broadcast_in_dim3A_32 : vector<2048x1xf32> to vector<2048x8xf32>
    %ge3A_34 = arith.cmpf oge, %select_n3A_29, %ge3A_33 : vector<2048x8xf32>
    %jit3A_35 = arith.constant 8.000000e+00 : f32
    %broadcast_in_dim3A_36 = vector.broadcast %jit3A_35 : f32 to vector<2048x8xf32>
    %select_n3A_37 = arith.select %ge3A_34, %convert_element_type3A, %broadcast_in_dim3A_36 : vector<2048x8xi1>, vector<2048x8xf32>
    %reduce_min3A_38 = arith.constant dense<0x7F800000> : vector<2048xf32>
    %reduce_min3A_39 = vector.multi_reduction <minimumf>, %select_n3A_37, %reduce_min3A_38 [1] : vector<2048x8xf32> to vector<2048xf32>
    %broadcast_in_dim3A_40 = vector.shape_cast %reduce_min3A_39 : vector<2048xf32> to vector<2048x1xf32>
    %eq3A_41 = vector.broadcast %broadcast_in_dim3A_40 : vector<2048x1xf32> to vector<2048x8xf32>
    %eq3A_42 = arith.cmpf oeq, %convert_element_type3A, %eq3A_41 : vector<2048x8xf32>
    %convert_element_type3A_43 = arith.extui %eq3A_42 : vector<2048x8xi1> to vector<2048x8xi32>
    %convert_element_type3A_44 = arith.sitofp %convert_element_type3A_43 : vector<2048x8xi32> to vector<2048x8xf32>
    %swap3A = arith.constant 0 : index
    %swap3A_45 = arith.constant 0 : index
    %swap3A_46 = vector.load %arg9[%swap3A, %swap3A_45] : memref<2048x8xf32, #tpu.memory_space<vmem>>, vector<2048x8xf32>
    tpu.vector_store %arg9[%swap3A, %swap3A_45], %convert_element_type3A_24 {strides = array<i32>} : memref<2048x8xf32, #tpu.memory_space<vmem>>, vector<2048x8xf32>,
    %swap3A_47 = arith.constant 0 : index
    %swap3A_48 = arith.constant 0 : index
    %swap3A_49 = vector.load %arg10[%swap3A_47, %swap3A_48] : memref<2048x8xf32, #tpu.memory_space<vmem>>, vector<2048x8xf32>
    tpu.vector_store %arg10[%swap3A_47, %swap3A_48], %convert_element_type3A_44 {strides = array<i32>} : memref<2048x8xf32, #tpu.memory_space<vmem>>, vector<2048x8xf32>,
    %reduce_sum3A_50 = arith.constant dense<0.000000e+00> : vector<1024xf32>
    %reduce_sum3A_51 = vector.multi_reduction <add>, %get3A_1, %reduce_sum3A_50 [0] : vector<2048x1024xf32> to vector<1024xf32>
    %broadcast_in_dim3A_52 = vector.shape_cast %reduce_sum3A_51 : vector<1024xf32> to vector<1x1024xf32>
    %div3A_53 = arith.constant 2.048000e+03 : f32
    %div3A_54 = vector.broadcast %div3A_53 : f32 to vector<1x1024xf32>
    %div3A_55 = arith.divf %broadcast_in_dim3A_52, %div3A_54 : vector<1x1024xf32>
    %get3A_56 = arith.constant 0 : index
    %get3A_57 = arith.constant 0 : index
    %get3A_58 = vector.load %arg3[%get3A_56, %get3A_57] : memref<1024x64xf32, #tpu.memory_space<vmem>>, vector<1024x64xf32>
    %dot_general3A_59 = arith.constant dense<0.000000e+00> : vector<1x64xf32>
    %dot_general3A_60 = tpu.matmul %div3A_55, %get3A_58, %dot_general3A_59 {dimension_numbers = #tpu.dot_dimension_numbers<[1], [0], [0], [1], [0, 0, 1, 1], [], []>, transpose_lhs_hint = false} : vector<1x1024xf32>, vector<1024x64xf32>, vector<1x64xf32> -> vector<1x64xf32>
    %get3A_61 = arith.constant 0 : index
    %get3A_62 = arith.constant 0 : index
    %get3A_63 = vector.load %arg4[%get3A_61, %get3A_62] : memref<1x64xf32, #tpu.memory_space<vmem>>, vector<1x64xf32>
    %add3A_64 = arith.addf %dot_general3A_60, %get3A_63 : vector<1x64xf32>
    %max3A = arith.constant 0.000000e+00 : f32
    %max3A_65 = vector.broadcast %max3A : f32 to vector<1x64xf32>
    %max3A_66 = arith.maximumf %add3A_64, %max3A_65 : vector<1x64xf32>
    %get3A_67 = arith.constant 0 : index
    %get3A_68 = arith.constant 0 : index
    %get3A_69 = vector.load %arg5[%get3A_67, %get3A_68] : memref<64x1xf32, #tpu.memory_space<vmem>>, vector<64x1xf32>
    %dot_general3A_70 = arith.constant dense<0.000000e+00> : vector<1x1xf32>
    %dot_general3A_71 = tpu.matmul %max3A_66, %get3A_69, %dot_general3A_70 {dimension_numbers = #tpu.dot_dimension_numbers<[1], [0], [0], [1], [0, 0, 1, 1], [], []>, transpose_lhs_hint = false} : vector<1x64xf32>, vector<64x1xf32>, vector<1x1xf32> -> vector<1x1xf32>
    %get3A_72 = arith.constant 0 : index
    %get3A_73 = arith.constant 0 : index
    %get3A_74 = vector.load %arg6[%get3A_72, %get3A_73] : memref<1x1xf32, #tpu.memory_space<vmem>>, vector<1x1xf32>
    %add3A_75 = arith.addf %dot_general3A_71, %get3A_74 : vector<1x1xf32>
    %neg3A = arith.constant 0.000000e+00 : f32
    %neg3A_76 = vector.broadcast %neg3A : f32 to vector<1x1xf32>
    %neg3A_77 = arith.subf %neg3A_76, %add3A_75 : vector<1x1xf32>
    %exp3A_78 = math.exp %neg3A_77 : vector<1x1xf32>
    %add3A_79 = arith.constant 1.000000e+00 : f32
    %add3A_80 = vector.broadcast %add3A_79 : f32 to vector<1x1xf32>
    %add3A_81 = arith.addf %add3A_80, %exp3A_78 : vector<1x1xf32>
    %div3A_82 = arith.constant 5.000000e-01 : f32
    %div3A_83 = vector.broadcast %div3A_82 : f32 to vector<1x1xf32>
    %div3A_84 = arith.divf %div3A_83, %add3A_81 : vector<1x1xf32>
    %add3A_85 = arith.addf %broadcast_in_dim3A_17, %broadcast_in_dim3A_32 : vector<2048x1xf32>
    %div3A_86 = arith.divf %broadcast_in_dim3A_17, %add3A_85 : vector<2048x1xf32>
    %mul3A = vector.broadcast %div3A_84 : vector<1x1xf32> to vector<2048x1xf32>
    %mul3A_87 = arith.mulf %div3A_86, %mul3A : vector<2048x1xf32>
    %div3A_88 = arith.divf %broadcast_in_dim3A_32, %add3A_85 : vector<2048x1xf32>
    %mul3A_89 = vector.broadcast %div3A_84 : vector<1x1xf32> to vector<2048x1xf32>
    %mul3A_90 = arith.mulf %div3A_88, %mul3A_89 : vector<2048x1xf32>
    %iota3A_91 = tpu.iota {dimensions = array<i32: 0>} : vector<512x512xi32>
    %iota3A_92 = tpu.iota {dimensions = array<i32: 1>} : vector<512x512xi32>
    %gt3A = arith.cmpi sgt, %iota3A_91, %iota3A_92 : vector<512x512xi32>
    %convert_element_type3A_93 = arith.extui %gt3A : vector<512x512xi1> to vector<512x512xi32>
    %convert_element_type3A_94 = arith.sitofp %convert_element_type3A_93 : vector<512x512xi32> to vector<512x512xf32>
    %broadcast_in_dim3A_95 = arith.constant 0.000000e+00 : f32
    %broadcast_in_dim3A_96 = vector.broadcast %broadcast_in_dim3A_95 : f32 to vector<1x8xf32>
    %broadcast_in_dim3A_97 = arith.constant 0.000000e+00 : f32
    %broadcast_in_dim3A_98 = vector.broadcast %broadcast_in_dim3A_97 : f32 to vector<1x8xf32>
    %scan3A = arith.constant 0 : i32
    %scan3A_99 = arith.constant 4 : i32
    %scan3A_100 = arith.addi %scan3A, %scan3A_99 : i32
    %scan3A_101 = arith.constant 1 : i32
    %scan3A_102:2 = scf.for %scan3A_215 = %scan3A to %scan3A_100 step %scan3A_101 iter_args(%scan3A_216 = %broadcast_in_dim3A_96, %scan3A_217 = %broadcast_in_dim3A_98) -> (vector<1x8xf32>, vector<1x8xf32>)  : i32 {
      %mul3A_218 = arith.constant 512 : i32
      %mul3A_219 = arith.muli %scan3A_215, %mul3A_218 : i32
      %get3A_220 = arith.index_cast %mul3A_219 : i32 to index
      %get3A_221 = arith.constant 0 : index
      %get3A_222 = vector.load %arg9[%get3A_220, %get3A_221] : memref<2048x8xf32, #tpu.memory_space<vmem>>, vector<512x8xf32>
      %get3A_223 = arith.index_cast %mul3A_219 : i32 to index
      %get3A_224 = arith.constant 0 : index
      %get3A_225 = vector.load %arg10[%get3A_223, %get3A_224] : memref<2048x8xf32, #tpu.memory_space<vmem>>, vector<512x8xf32>
      %dot_general3A_226 = arith.constant dense<0.000000e+00> : vector<512x8xf32>
      %dot_general3A_227 = tpu.matmul %convert_element_type3A_94, %get3A_222, %dot_general3A_226 {dimension_numbers = #tpu.dot_dimension_numbers<[1], [0], [0], [1], [0, 0, 1, 1], [], []>, transpose_lhs_hint = false} : vector<512x512xf32>, vector<512x8xf32>, vector<512x8xf32> -> vector<512x8xf32>
      %add3A_228 = vector.broadcast %scan3A_216 : vector<1x8xf32> to vector<512x8xf32>
      %add3A_229 = arith.addf %dot_general3A_227, %add3A_228 : vector<512x8xf32>
      %dot_general3A_230 = arith.constant dense<0.000000e+00> : vector<512x8xf32>
      %dot_general3A_231 = tpu.matmul %convert_element_type3A_94, %get3A_225, %dot_general3A_230 {dimension_numbers = #tpu.dot_dimension_numbers<[1], [0], [0], [1], [0, 0, 1, 1], [], []>, transpose_lhs_hint = false} : vector<512x512xf32>, vector<512x8xf32>, vector<512x8xf32> -> vector<512x8xf32>
      %add3A_232 = vector.broadcast %scan3A_217 : vector<1x8xf32> to vector<512x8xf32>
      %add3A_233 = arith.addf %dot_general3A_231, %add3A_232 : vector<512x8xf32>
      %mul3A_234 = arith.mulf %add3A_229, %get3A_222 : vector<512x8xf32>
      %reduce_sum3A_235 = arith.constant dense<0.000000e+00> : vector<512xf32>
      %reduce_sum3A_236 = vector.multi_reduction <add>, %mul3A_234, %reduce_sum3A_235 [1] : vector<512x8xf32> to vector<512xf32>
      %broadcast_in_dim3A_237 = vector.shape_cast %reduce_sum3A_236 : vector<512xf32> to vector<512x1xf32>
      %swap3A_238 = arith.index_cast %mul3A_219 : i32 to index
      %swap3A_239 = arith.constant 0 : index
      %swap3A_240 = vector.load %arg11[%swap3A_238, %swap3A_239] : memref<2048x1xf32, #tpu.memory_space<vmem>>, vector<512x1xf32>
      tpu.vector_store %arg11[%swap3A_238, %swap3A_239], %broadcast_in_dim3A_237 {strides = array<i32>} : memref<2048x1xf32, #tpu.memory_space<vmem>>, vector<512x1xf32>,
      %mul3A_241 = arith.mulf %add3A_233, %get3A_225 : vector<512x8xf32>
      %reduce_sum3A_242 = arith.constant dense<0.000000e+00> : vector<512xf32>
      %reduce_sum3A_243 = vector.multi_reduction <add>, %mul3A_241, %reduce_sum3A_242 [1] : vector<512x8xf32> to vector<512xf32>
      %broadcast_in_dim3A_244 = vector.shape_cast %reduce_sum3A_243 : vector<512xf32> to vector<512x1xf32>
      %swap3A_245 = arith.index_cast %mul3A_219 : i32 to index
      %swap3A_246 = arith.constant 0 : index
      %swap3A_247 = vector.load %arg12[%swap3A_245, %swap3A_246] : memref<2048x1xf32, #tpu.memory_space<vmem>>, vector<512x1xf32>
      tpu.vector_store %arg12[%swap3A_245, %swap3A_246], %broadcast_in_dim3A_244 {strides = array<i32>} : memref<2048x1xf32, #tpu.memory_space<vmem>>, vector<512x1xf32>,
      %reduce_sum3A_248 = arith.constant dense<0.000000e+00> : vector<8xf32>
      %reduce_sum3A_249 = vector.multi_reduction <add>, %get3A_222, %reduce_sum3A_248 [0] : vector<512x8xf32> to vector<8xf32>
      %broadcast_in_dim3A_250 = vector.shape_cast %reduce_sum3A_249 : vector<8xf32> to vector<1x8xf32>
      %add3A_251 = arith.addf %scan3A_216, %broadcast_in_dim3A_250 : vector<1x8xf32>
      %reduce_sum3A_252 = arith.constant dense<0.000000e+00> : vector<8xf32>
      %reduce_sum3A_253 = vector.multi_reduction <add>, %get3A_225, %reduce_sum3A_252 [0] : vector<512x8xf32> to vector<8xf32>
      %broadcast_in_dim3A_254 = vector.shape_cast %reduce_sum3A_253 : vector<8xf32> to vector<1x8xf32>
      %add3A_255 = arith.addf %scan3A_217, %broadcast_in_dim3A_254 : vector<1x8xf32>
      scf.yield %add3A_251, %add3A_255 : vector<1x8xf32>, vector<1x8xf32>
    }
    %scan3A_103 = arith.constant 4 : i32
    %add3A_104 = arith.addf %scan3A_102#0, %scan3A_102#1 : vector<1x8xf32>
    %add3A_105 = arith.constant 5.110000e+02 : f32
    %add3A_106 = vector.broadcast %add3A_105 : f32 to vector<1x8xf32>
    %add3A_107 = arith.addf %add3A_104, %add3A_106 : vector<1x8xf32>
    %div3A_108 = arith.constant 5.120000e+02 : f32
    %div3A_109 = vector.broadcast %div3A_108 : f32 to vector<1x8xf32>
    %div3A_110 = arith.divf %add3A_107, %div3A_109 : vector<1x8xf32>
    %floor3A = math.floor %div3A_110 : vector<1x8xf32>
    %mul3A_111 = arith.constant 5.120000e+02 : f32
    %mul3A_112 = vector.broadcast %mul3A_111 : f32 to vector<1x8xf32>
    %mul3A_113 = arith.mulf %floor3A, %mul3A_112 : vector<1x8xf32>
    %iota3A_114 = tpu.iota {dimensions = array<i32: 0>} : vector<8x8xi32>
    %iota3A_115 = tpu.iota {dimensions = array<i32: 1>} : vector<8x8xi32>
    %lt3A = arith.cmpi slt, %iota3A_114, %iota3A_115 : vector<8x8xi32>
    %convert_element_type3A_116 = arith.extui %lt3A : vector<8x8xi1> to vector<8x8xi32>
    %convert_element_type3A_117 = arith.sitofp %convert_element_type3A_116 : vector<8x8xi32> to vector<8x8xf32>
    %dot_general3A_118 = arith.constant dense<0.000000e+00> : vector<1x8xf32>
    %dot_general3A_119 = tpu.matmul %mul3A_113, %convert_element_type3A_117, %dot_general3A_118 {dimension_numbers = #tpu.dot_dimension_numbers<[1], [0], [0], [1], [0, 0, 1, 1], [], []>, transpose_lhs_hint = false} : vector<1x8xf32>, vector<8x8xf32>, vector<1x8xf32> -> vector<1x8xf32>
    %get3A_120 = arith.constant 0 : index
    %get3A_121 = arith.constant 0 : index
    %get3A_122 = vector.load %arg12[%get3A_120, %get3A_121] : memref<2048x1xf32, #tpu.memory_space<vmem>>, vector<2048x1xf32>
    %mul3A_123 = vector.broadcast %scan3A_102#0 : vector<1x8xf32> to vector<2048x8xf32>
    %mul3A_124 = arith.mulf %convert_element_type3A_44, %mul3A_123 : vector<2048x8xf32>
    %reduce_sum3A_125 = arith.constant dense<0.000000e+00> : vector<2048xf32>
    %reduce_sum3A_126 = vector.multi_reduction <add>, %mul3A_124, %reduce_sum3A_125 [1] : vector<2048x8xf32> to vector<2048xf32>
    %broadcast_in_dim3A_127 = vector.shape_cast %reduce_sum3A_126 : vector<2048xf32> to vector<2048x1xf32>
    %add3A_128 = arith.addf %get3A_122, %broadcast_in_dim3A_127 : vector<2048x1xf32>
    %mul3A_129 = vector.broadcast %dot_general3A_119 : vector<1x8xf32> to vector<2048x8xf32>
    %mul3A_130 = arith.mulf %convert_element_type3A_24, %mul3A_129 : vector<2048x8xf32>
    %reduce_sum3A_131 = arith.constant dense<0.000000e+00> : vector<2048xf32>
    %reduce_sum3A_132 = vector.multi_reduction <add>, %mul3A_130, %reduce_sum3A_131 [1] : vector<2048x8xf32> to vector<2048xf32>
    %broadcast_in_dim3A_133 = vector.shape_cast %reduce_sum3A_132 : vector<2048xf32> to vector<2048x1xf32>
    %get3A_134 = arith.constant 0 : index
    %get3A_135 = arith.constant 0 : index
    %get3A_136 = vector.load %arg11[%get3A_134, %get3A_135] : memref<2048x1xf32, #tpu.memory_space<vmem>>, vector<2048x1xf32>
    %add3A_137 = arith.addf %broadcast_in_dim3A_133, %get3A_136 : vector<2048x1xf32>
    %mul3A_138 = vector.broadcast %dot_general3A_119 : vector<1x8xf32> to vector<2048x8xf32>
    %mul3A_139 = arith.mulf %convert_element_type3A_44, %mul3A_138 : vector<2048x8xf32>
    %reduce_sum3A_140 = arith.constant dense<0.000000e+00> : vector<2048xf32>
    %reduce_sum3A_141 = vector.multi_reduction <add>, %mul3A_139, %reduce_sum3A_140 [1] : vector<2048x8xf32> to vector<2048xf32>
    %broadcast_in_dim3A_142 = vector.shape_cast %reduce_sum3A_141 : vector<2048xf32> to vector<2048x1xf32>
    %add3A_143 = arith.addf %broadcast_in_dim3A_142, %add3A_128 : vector<2048x1xf32>
    %iota3A_144 = tpu.iota {dimensions = array<i32: 0>} : vector<2048x1xi32>
    %convert_element_type3A_145 = arith.sitofp %iota3A_144 : vector<2048x1xi32> to vector<2048x1xf32>
    %mul3A_146 = arith.constant 5.120000e+02 : f32
    %mul3A_147 = vector.broadcast %mul3A_146 : f32 to vector<2048x1xf32>
    %mul3A_148 = arith.mulf %convert_element_type3A_145, %mul3A_147 : vector<2048x1xf32>
    %le3A = vector.broadcast %dot_general3A_119 : vector<1x8xf32> to vector<2048x8xf32>
    %le3A_149 = vector.broadcast %mul3A_148 : vector<2048x1xf32> to vector<2048x8xf32>
    %le3A_150 = arith.cmpf ole, %le3A, %le3A_149 : vector<2048x8xf32>
    %convert_element_type3A_151 = arith.extui %le3A_150 : vector<2048x8xi1> to vector<2048x8xi32>
    %convert_element_type3A_152 = arith.sitofp %convert_element_type3A_151 : vector<2048x8xi32> to vector<2048x8xf32>
    %reduce_sum3A_153 = arith.constant dense<0.000000e+00> : vector<2048xf32>
    %reduce_sum3A_154 = vector.multi_reduction <add>, %convert_element_type3A_152, %reduce_sum3A_153 [1] : vector<2048x8xf32> to vector<2048xf32>
    %broadcast_in_dim3A_155 = vector.shape_cast %reduce_sum3A_154 : vector<2048xf32> to vector<2048x1xf32>
    %sub3A_156 = arith.constant 1.000000e+00 : f32
    %sub3A_157 = vector.broadcast %sub3A_156 : f32 to vector<2048x1xf32>
    %sub3A_158 = arith.subf %broadcast_in_dim3A_155, %sub3A_157 : vector<2048x1xf32>
    %reduce_sum3A_159 = arith.constant dense<0.000000e+00> : vector<1xf32>
    %reduce_sum3A_160 = vector.multi_reduction <add>, %mul3A_113, %reduce_sum3A_159 [1] : vector<1x8xf32> to vector<1xf32>
    %broadcast_in_dim3A_161 = vector.shape_cast %reduce_sum3A_160 : vector<1xf32> to vector<1x1xf32>
    %add3A_162 = arith.constant 5.110000e+02 : f32
    %add3A_163 = vector.broadcast %add3A_162 : f32 to vector<1x1xf32>
    %add3A_164 = arith.addf %broadcast_in_dim3A_161, %add3A_163 : vector<1x1xf32>
    %div3A_165 = arith.constant 5.120000e+02 : f32
    %div3A_166 = vector.broadcast %div3A_165 : f32 to vector<1x1xf32>
    %div3A_167 = arith.divf %add3A_164, %div3A_166 : vector<1x1xf32>
    %floor3A_168 = math.floor %div3A_167 : vector<1x1xf32>
    %sub3A_169 = arith.constant 1.000000e+00 : f32
    %sub3A_170 = vector.broadcast %sub3A_169 : f32 to vector<1x1xf32>
    %sub3A_171 = arith.subf %floor3A_168, %sub3A_170 : vector<1x1xf32>
    %min3A = vector.broadcast %sub3A_171 : vector<1x1xf32> to vector<2048x1xf32>
    %min3A_172 = arith.minimumf %convert_element_type3A_145, %min3A : vector<2048x1xf32>
    %broadcast_in_dim3A_173 = arith.constant 0 : i32
    %broadcast_in_dim3A_174 = vector.broadcast %broadcast_in_dim3A_173 : i32 to vector<2048x8xi32>
    %swap3A_175 = arith.constant 0 : index
    %swap3A_176 = arith.constant 0 : index
    %swap3A_177 = vector.load %arg7[%swap3A_175, %swap3A_176] : memref<2048x8xi32, #tpu.memory_space<vmem>>, vector<2048x8xi32>
    tpu.vector_store %arg7[%swap3A_175, %swap3A_176], %broadcast_in_dim3A_174 {strides = array<i32>} : memref<2048x8xi32, #tpu.memory_space<vmem>>, vector<2048x8xi32>,
    %broadcast_in_dim3A_178 = arith.constant 0.000000e+00 : f32
    %broadcast_in_dim3A_179 = vector.broadcast %broadcast_in_dim3A_178 : f32 to vector<2048x8xf32>
    %swap3A_180 = arith.constant 0 : index
    %swap3A_181 = arith.constant 0 : index
    %swap3A_182 = vector.load %arg8[%swap3A_180, %swap3A_181] : memref<2048x8xf32, #tpu.memory_space<vmem>>, vector<2048x8xf32>
    tpu.vector_store %arg8[%swap3A_180, %swap3A_181], %broadcast_in_dim3A_179 {strides = array<i32>} : memref<2048x8xf32, #tpu.memory_space<vmem>>, vector<2048x8xf32>,
    %convert_element_type3A_183 = arith.fptosi %add3A_137 : vector<2048x1xf32> to vector<2048x1xi32>
    %swap3A_184 = arith.constant 0 : index
    %swap3A_185 = arith.constant 0 : index
    %swap3A_186 = vector.load %arg7[%swap3A_184, %swap3A_185] : memref<2048x8xi32, #tpu.memory_space<vmem>>, vector<2048x1xi32>
    tpu.vector_store %arg7[%swap3A_184, %swap3A_185], %convert_element_type3A_183 {strides = array<i32>} : memref<2048x8xi32, #tpu.memory_space<vmem>>, vector<2048x1xi32>,
    %convert_element_type3A_187 = arith.fptosi %add3A_143 : vector<2048x1xf32> to vector<2048x1xi32>
    %swap3A_188 = arith.constant 0 : index
    %swap3A_189 = arith.constant 1 : index
    %swap3A_190 = vector.load %arg7[%swap3A_188, %swap3A_189] : memref<2048x8xi32, #tpu.memory_space<vmem>>, vector<2048x1xi32>
    tpu.vector_store %arg7[%swap3A_188, %swap3A_189], %convert_element_type3A_187 {strides = array<i32>} : memref<2048x8xi32, #tpu.memory_space<vmem>>, vector<2048x1xi32>,
    %convert_element_type3A_191 = arith.fptosi %sub3A_158 : vector<2048x1xf32> to vector<2048x1xi32>
    %swap3A_192 = arith.constant 0 : index
    %swap3A_193 = arith.constant 2 : index
    %swap3A_194 = vector.load %arg7[%swap3A_192, %swap3A_193] : memref<2048x8xi32, #tpu.memory_space<vmem>>, vector<2048x1xi32>
    tpu.vector_store %arg7[%swap3A_192, %swap3A_193], %convert_element_type3A_191 {strides = array<i32>} : memref<2048x8xi32, #tpu.memory_space<vmem>>, vector<2048x1xi32>,
    %convert_element_type3A_195 = arith.fptosi %min3A_172 : vector<2048x1xf32> to vector<2048x1xi32>
    %swap3A_196 = arith.constant 0 : index
    %swap3A_197 = arith.constant 3 : index
    %swap3A_198 = vector.load %arg7[%swap3A_196, %swap3A_197] : memref<2048x8xi32, #tpu.memory_space<vmem>>, vector<2048x1xi32>
    tpu.vector_store %arg7[%swap3A_196, %swap3A_197], %convert_element_type3A_195 {strides = array<i32>} : memref<2048x8xi32, #tpu.memory_space<vmem>>, vector<2048x1xi32>,
    %swap3A_199 = arith.constant 0 : index
    %swap3A_200 = arith.constant 0 : index
    %swap3A_201 = vector.load %arg8[%swap3A_199, %swap3A_200] : memref<2048x8xf32, #tpu.memory_space<vmem>>, vector<2048x1xf32>
    tpu.vector_store %arg8[%swap3A_199, %swap3A_200], %mul3A_87 {strides = array<i32>} : memref<2048x8xf32, #tpu.memory_space<vmem>>, vector<2048x1xf32>,
    %swap3A_202 = arith.constant 0 : index
    %swap3A_203 = arith.constant 1 : index
    %swap3A_204 = vector.load %arg8[%swap3A_202, %swap3A_203] : memref<2048x8xf32, #tpu.memory_space<vmem>>, vector<2048x1xf32>
    tpu.vector_store %arg8[%swap3A_202, %swap3A_203], %mul3A_90 {strides = array<i32>} : memref<2048x8xf32, #tpu.memory_space<vmem>>, vector<2048x1xf32>,
    %sub3A_205 = arith.constant 1.000000e+00 : f32
    %sub3A_206 = vector.broadcast %sub3A_205 : f32 to vector<1x1xf32>
    %sub3A_207 = arith.subf %sub3A_206, %div3A_84 : vector<1x1xf32>
    %broadcast_in_dim3A_208 = arith.constant 0.000000e+00 : f32
    %broadcast_in_dim3A_209 = vector.broadcast %broadcast_in_dim3A_208 : f32 to vector<2048x1xf32>
    %add3A_210 = vector.broadcast %sub3A_207 : vector<1x1xf32> to vector<2048x1xf32>
    %add3A_211 = arith.addf %add3A_210, %broadcast_in_dim3A_209 : vector<2048x1xf32>
    %swap3A_212 = arith.constant 0 : index
    %swap3A_213 = arith.constant 2 : index
    %swap3A_214 = vector.load %arg8[%swap3A_212, %swap3A_213] : memref<2048x8xf32, #tpu.memory_space<vmem>>, vector<2048x1xf32>
    tpu.vector_store %arg8[%swap3A_212, %swap3A_213], %add3A_211 {strides = array<i32>} : memref<2048x8xf32, #tpu.memory_space<vmem>>, vector<2048x1xf32>,
    return
  }
}

module attributes {stable_mosaic.version = 14 : i64} {
  func.func @_dense_body(%arg0: i32, %arg1: memref<512x1024xf32, #tpu.memory_space<vmem>>, %arg2: memref<1024x2048xf32, #tpu.memory_space<vmem>>, %arg3: memref<1x2048xf32, #tpu.memory_space<vmem>>, %arg4: memref<2048x1024xf32, #tpu.memory_space<vmem>>, %arg5: memref<1x1024xf32, #tpu.memory_space<vmem>>, %arg6: memref<512x1024xf32, #tpu.memory_space<vmem>>) attributes {dimension_semantics = [#tpu.dimension_semantics<arbitrary>], iteration_bounds = array<i64: 4>, scalar_prefetch = 0 : i64, scratch_operands = 0 : i64, tpu.core_type = #tpu.core_type<tc>, window_params = [{transform_indices = @transform_0, window_bounds = array<i64: 512, 1024>}, {pipeline_mode = #tpu.pipeline_mode<synchronous>, transform_indices = @transform_1, window_bounds = array<i64: 1024, 2048>}, {pipeline_mode = #tpu.pipeline_mode<synchronous>, transform_indices = @transform_2, window_bounds = array<i64: 1, 2048>}, {pipeline_mode = #tpu.pipeline_mode<synchronous>, transform_indices = @transform_3, window_bounds = array<i64: 2048, 1024>}, {pipeline_mode = #tpu.pipeline_mode<synchronous>, transform_indices = @transform_4, window_bounds = array<i64: 1, 1024>}, {transform_indices = @transform_5, window_bounds = array<i64: 512, 1024>}]} {
    %get3A = arith.constant 0 : index
    %get3A_0 = arith.constant 0 : index
    %get3A_1 = vector.load %arg1[%get3A, %get3A_0] : memref<512x1024xf32, #tpu.memory_space<vmem>>, vector<512x1024xf32>
    %get3A_2 = arith.constant 0 : index
    %get3A_3 = arith.constant 0 : index
    %get3A_4 = vector.load %arg2[%get3A_2, %get3A_3] : memref<1024x2048xf32, #tpu.memory_space<vmem>>, vector<1024x2048xf32>
    %dot_general3A = arith.constant dense<0.000000e+00> : vector<512x2048xf32>
    %dot_general3A_5 = tpu.matmul %get3A_1, %get3A_4, %dot_general3A {dimension_numbers = #tpu.dot_dimension_numbers<[1], [0], [0], [1], [0, 0, 1, 1], [], []>, transpose_lhs_hint = false} : vector<512x1024xf32>, vector<1024x2048xf32>, vector<512x2048xf32> -> vector<512x2048xf32>
    %get3A_6 = arith.constant 0 : index
    %get3A_7 = arith.constant 0 : index
    %get3A_8 = vector.load %arg3[%get3A_6, %get3A_7] : memref<1x2048xf32, #tpu.memory_space<vmem>>, vector<1x2048xf32>
    %add3A = vector.broadcast %get3A_8 : vector<1x2048xf32> to vector<512x2048xf32>
    %add3A_9 = arith.addf %dot_general3A_5, %add3A : vector<512x2048xf32>
    %max3A = arith.constant 0.000000e+00 : f32
    %max3A_10 = vector.broadcast %max3A : f32 to vector<512x2048xf32>
    %max3A_11 = arith.maximumf %add3A_9, %max3A_10 : vector<512x2048xf32>
    %get3A_12 = arith.constant 0 : index
    %get3A_13 = arith.constant 0 : index
    %get3A_14 = vector.load %arg4[%get3A_12, %get3A_13] : memref<2048x1024xf32, #tpu.memory_space<vmem>>, vector<2048x1024xf32>
    %dot_general3A_15 = arith.constant dense<0.000000e+00> : vector<512x1024xf32>
    %dot_general3A_16 = tpu.matmul %max3A_11, %get3A_14, %dot_general3A_15 {dimension_numbers = #tpu.dot_dimension_numbers<[1], [0], [0], [1], [0, 0, 1, 1], [], []>, transpose_lhs_hint = false} : vector<512x2048xf32>, vector<2048x1024xf32>, vector<512x1024xf32> -> vector<512x1024xf32>
    %get3A_17 = arith.constant 0 : index
    %get3A_18 = arith.constant 0 : index
    %get3A_19 = vector.load %arg5[%get3A_17, %get3A_18] : memref<1x1024xf32, #tpu.memory_space<vmem>>, vector<1x1024xf32>
    %add3A_20 = vector.broadcast %get3A_19 : vector<1x1024xf32> to vector<512x1024xf32>
    %add3A_21 = arith.addf %dot_general3A_16, %add3A_20 : vector<512x1024xf32>
    %swap3A = arith.constant 0 : index
    %swap3A_22 = arith.constant 0 : index
    %swap3A_23 = vector.load %arg6[%swap3A, %swap3A_22] : memref<512x1024xf32, #tpu.memory_space<vmem>>, vector<512x1024xf32>
    tpu.vector_store %arg6[%swap3A, %swap3A_22], %add3A_21 {strides = array<i32>} : memref<512x1024xf32, #tpu.memory_space<vmem>>, vector<512x1024xf32>,
    return
  }
  func.func @transform_0(%arg0: i32) -> (i32, i32) {
    %c0_i32 = arith.constant 0 : i32
    %c0_i32_0 = arith.constant 0 : i32
    return %arg0, %c0_i32 : i32, i32
  }
  func.func @transform_1(%arg0: i32) -> (i32, i32) {
    %c0_i32 = arith.constant 0 : i32
    %c0_i32_0 = arith.constant 0 : i32
    %c0_i32_1 = arith.constant 0 : i32
    return %c0_i32, %c0_i32_0 : i32, i32
  }
  func.func @transform_2(%arg0: i32) -> (i32, i32) {
    %c0_i32 = arith.constant 0 : i32
    %c0_i32_0 = arith.constant 0 : i32
    %c0_i32_1 = arith.constant 0 : i32
    return %c0_i32, %c0_i32_0 : i32, i32
  }
  func.func @transform_3(%arg0: i32) -> (i32, i32) {
    %c0_i32 = arith.constant 0 : i32
    %c0_i32_0 = arith.constant 0 : i32
    %c0_i32_1 = arith.constant 0 : i32
    return %c0_i32, %c0_i32_0 : i32, i32
  }
  func.func @transform_4(%arg0: i32) -> (i32, i32) {
    %c0_i32 = arith.constant 0 : i32
    %c0_i32_0 = arith.constant 0 : i32
    %c0_i32_1 = arith.constant 0 : i32
    return %c0_i32, %c0_i32_0 : i32, i32
  }
  func.func @transform_5(%arg0: i32) -> (i32, i32) {
    %c0_i32 = arith.constant 0 : i32
    %c0_i32_0 = arith.constant 0 : i32
    return %arg0, %c0_i32 : i32, i32
  }
}

module attributes {stable_mosaic.version = 14 : i64} {
  func.func @_moe_gemm_body(%arg0: i32, %arg1: memref<16xi32, #tpu.memory_space<smem>>, %arg2: memref<16xi32, #tpu.memory_space<smem>>, %arg3: memref<512x1024xf32, #tpu.memory_space<vmem>>, %arg4: memref<1x1024x2048xf32, #tpu.memory_space<vmem>>, %arg5: memref<1x1x2048xf32, #tpu.memory_space<vmem>>, %arg6: memref<1x2048x1024xf32, #tpu.memory_space<vmem>>, %arg7: memref<1x1x1024xf32, #tpu.memory_space<vmem>>, %arg8: memref<512x1024xf32, #tpu.memory_space<vmem>>) attributes {dimension_semantics = [#tpu.dimension_semantics<arbitrary>], iteration_bounds = array<i64: 16>, scalar_prefetch = 2 : i64, scratch_operands = 0 : i64, tpu.core_type = #tpu.core_type<tc>, window_params = [{transform_indices = @transform_0, window_bounds = array<i64: 512, 1024>}, {transform_indices = @transform_1, window_bounds = array<i64: 1, 1024, 2048>}, {transform_indices = @transform_2, window_bounds = array<i64: 1, 1, 2048>}, {transform_indices = @transform_3, window_bounds = array<i64: 1, 2048, 1024>}, {transform_indices = @transform_4, window_bounds = array<i64: 1, 1, 1024>}, {transform_indices = @transform_5, window_bounds = array<i64: 512, 1024>}]} {
    %get3A = arith.index_cast %arg0 : i32 to index
    %get3A_0 = memref.load %arg2[%get3A] : memref<16xi32, #tpu.memory_space<smem>>
    %eq3A = arith.cmpi eq, %get3A_0, %arg0 : i32
    %convert_element_type3A = arith.extui %eq3A : i1 to i32
    %cond3A = arith.constant 0 : i32
    %cond3A_1 = arith.cmpi ne, %convert_element_type3A, %cond3A : i32
    scf.if %cond3A_1 {
      %get3A_2 = arith.constant 0 : index
      %get3A_3 = arith.constant 0 : index
      %get3A_4 = vector.load %arg3[%get3A_2, %get3A_3] : memref<512x1024xf32, #tpu.memory_space<vmem>>, vector<512x1024xf32>
      %get3A_5 = arith.constant 0 : index
      %get3A_6 = arith.constant 0 : index
      %get3A_7 = arith.constant 0 : index
      %get3A_8 = vector.load %arg4[%get3A_5, %get3A_6, %get3A_7] : memref<1x1024x2048xf32, #tpu.memory_space<vmem>>, vector<1x1024x2048xf32>
      %get3A_9 = vector.shape_cast %get3A_8 : vector<1x1024x2048xf32> to vector<1024x2048xf32>
      %dot_general3A = arith.constant dense<0.000000e+00> : vector<512x2048xf32>
      %dot_general3A_10 = tpu.matmul %get3A_4, %get3A_9, %dot_general3A {dimension_numbers = #tpu.dot_dimension_numbers<[1], [0], [0], [1], [0, 0, 1, 1], [], []>, transpose_lhs_hint = false} : vector<512x1024xf32>, vector<1024x2048xf32>, vector<512x2048xf32> -> vector<512x2048xf32>
      %get3A_11 = arith.constant 0 : index
      %get3A_12 = arith.constant 0 : index
      %get3A_13 = arith.constant 0 : index
      %get3A_14 = vector.load %arg5[%get3A_11, %get3A_12, %get3A_13] : memref<1x1x2048xf32, #tpu.memory_space<vmem>>, vector<1x1x2048xf32>
      %get3A_15 = vector.shape_cast %get3A_14 : vector<1x1x2048xf32> to vector<1x2048xf32>
      %add3A = vector.broadcast %get3A_15 : vector<1x2048xf32> to vector<512x2048xf32>
      %add3A_16 = arith.addf %dot_general3A_10, %add3A : vector<512x2048xf32>
      %max3A = arith.constant 0.000000e+00 : f32
      %max3A_17 = vector.broadcast %max3A : f32 to vector<512x2048xf32>
      %max3A_18 = arith.maximumf %add3A_16, %max3A_17 : vector<512x2048xf32>
      %get3A_19 = arith.constant 0 : index
      %get3A_20 = arith.constant 0 : index
      %get3A_21 = arith.constant 0 : index
      %get3A_22 = vector.load %arg6[%get3A_19, %get3A_20, %get3A_21] : memref<1x2048x1024xf32, #tpu.memory_space<vmem>>, vector<1x2048x1024xf32>
      %get3A_23 = vector.shape_cast %get3A_22 : vector<1x2048x1024xf32> to vector<2048x1024xf32>
      %dot_general3A_24 = arith.constant dense<0.000000e+00> : vector<512x1024xf32>
      %dot_general3A_25 = tpu.matmul %max3A_18, %get3A_23, %dot_general3A_24 {dimension_numbers = #tpu.dot_dimension_numbers<[1], [0], [0], [1], [0, 0, 1, 1], [], []>, transpose_lhs_hint = false} : vector<512x2048xf32>, vector<2048x1024xf32>, vector<512x1024xf32> -> vector<512x1024xf32>
      %get3A_26 = arith.constant 0 : index
      %get3A_27 = arith.constant 0 : index
      %get3A_28 = arith.constant 0 : index
      %get3A_29 = vector.load %arg7[%get3A_26, %get3A_27, %get3A_28] : memref<1x1x1024xf32, #tpu.memory_space<vmem>>, vector<1x1x1024xf32>
      %get3A_30 = vector.shape_cast %get3A_29 : vector<1x1x1024xf32> to vector<1x1024xf32>
      %add3A_31 = vector.broadcast %get3A_30 : vector<1x1024xf32> to vector<512x1024xf32>
      %add3A_32 = arith.addf %dot_general3A_25, %add3A_31 : vector<512x1024xf32>
      %swap3A = arith.constant 0 : index
      %swap3A_33 = arith.constant 0 : index
      %swap3A_34 = vector.load %arg8[%swap3A, %swap3A_33] : memref<512x1024xf32, #tpu.memory_space<vmem>>, vector<512x1024xf32>
      tpu.vector_store %arg8[%swap3A, %swap3A_33], %add3A_32 {strides = array<i32>} : memref<512x1024xf32, #tpu.memory_space<vmem>>, vector<512x1024xf32>,
    } else {
    }
    return
  }
  func.func @transform_0(%arg0: i32, %arg1: memref<16xi32, #tpu.memory_space<smem>>, %arg2: memref<16xi32, #tpu.memory_space<smem>>) -> (i32, i32) {
    %get3A = arith.index_cast %arg0 : i32 to index
    %get3A_0 = memref.load %arg2[%get3A] : memref<16xi32, #tpu.memory_space<smem>>
    %c0_i32 = arith.constant 0 : i32
    %c0_i32_1 = arith.constant 0 : i32
    return %get3A_0, %c0_i32 : i32, i32
  }
  func.func @transform_1(%arg0: i32, %arg1: memref<16xi32, #tpu.memory_space<smem>>, %arg2: memref<16xi32, #tpu.memory_space<smem>>) -> (i32, i32, i32) {
    %get3A = arith.index_cast %arg0 : i32 to index
    %get3A_0 = memref.load %arg2[%get3A] : memref<16xi32, #tpu.memory_space<smem>>
    %get3A_1 = arith.index_cast %get3A_0 : i32 to index
    %get3A_2 = memref.load %arg1[%get3A_1] : memref<16xi32, #tpu.memory_space<smem>>
    %c0_i32 = arith.constant 0 : i32
    %c0_i32_3 = arith.constant 0 : i32
    %c0_i32_4 = arith.constant 0 : i32
    return %get3A_2, %c0_i32, %c0_i32_3 : i32, i32, i32
  }
  func.func @transform_2(%arg0: i32, %arg1: memref<16xi32, #tpu.memory_space<smem>>, %arg2: memref<16xi32, #tpu.memory_space<smem>>) -> (i32, i32, i32) {
    %get3A = arith.index_cast %arg0 : i32 to index
    %get3A_0 = memref.load %arg2[%get3A] : memref<16xi32, #tpu.memory_space<smem>>
    %get3A_1 = arith.index_cast %get3A_0 : i32 to index
    %get3A_2 = memref.load %arg1[%get3A_1] : memref<16xi32, #tpu.memory_space<smem>>
    %c0_i32 = arith.constant 0 : i32
    %c0_i32_3 = arith.constant 0 : i32
    %c0_i32_4 = arith.constant 0 : i32
    return %get3A_2, %c0_i32, %c0_i32_3 : i32, i32, i32
  }
  func.func @transform_3(%arg0: i32, %arg1: memref<16xi32, #tpu.memory_space<smem>>, %arg2: memref<16xi32, #tpu.memory_space<smem>>) -> (i32, i32, i32) {
    %get3A = arith.index_cast %arg0 : i32 to index
    %get3A_0 = memref.load %arg2[%get3A] : memref<16xi32, #tpu.memory_space<smem>>
    %get3A_1 = arith.index_cast %get3A_0 : i32 to index
    %get3A_2 = memref.load %arg1[%get3A_1] : memref<16xi32, #tpu.memory_space<smem>>
    %c0_i32 = arith.constant 0 : i32
    %c0_i32_3 = arith.constant 0 : i32
    %c0_i32_4 = arith.constant 0 : i32
    return %get3A_2, %c0_i32, %c0_i32_3 : i32, i32, i32
  }
  func.func @transform_4(%arg0: i32, %arg1: memref<16xi32, #tpu.memory_space<smem>>, %arg2: memref<16xi32, #tpu.memory_space<smem>>) -> (i32, i32, i32) {
    %get3A = arith.index_cast %arg0 : i32 to index
    %get3A_0 = memref.load %arg2[%get3A] : memref<16xi32, #tpu.memory_space<smem>>
    %get3A_1 = arith.index_cast %get3A_0 : i32 to index
    %get3A_2 = memref.load %arg1[%get3A_1] : memref<16xi32, #tpu.memory_space<smem>>
    %c0_i32 = arith.constant 0 : i32
    %c0_i32_3 = arith.constant 0 : i32
    %c0_i32_4 = arith.constant 0 : i32
    return %get3A_2, %c0_i32, %c0_i32_3 : i32, i32, i32
  }
  func.func @transform_5(%arg0: i32, %arg1: memref<16xi32, #tpu.memory_space<smem>>, %arg2: memref<16xi32, #tpu.memory_space<smem>>) -> (i32, i32) {
    %get3A = arith.index_cast %arg0 : i32 to index
    %get3A_0 = memref.load %arg2[%get3A] : memref<16xi32, #tpu.memory_space<smem>>
    %c0_i32 = arith.constant 0 : i32
    %c0_i32_1 = arith.constant 0 : i32
    return %get3A_0, %c0_i32 : i32, i32
  }
}

module attributes {stable_mosaic.version = 14 : i64} {
  func.func @_combine_body(%arg0: i32, %arg1: memref<512x1024xf32, #tpu.memory_space<vmem>>, %arg2: memref<512x1024xf32, #tpu.memory_space<vmem>>, %arg3: memref<512x1024xf32, #tpu.memory_space<vmem>>, %arg4: memref<512x8xf32, #tpu.memory_space<vmem>>, %arg5: memref<512x1024xf32, #tpu.memory_space<vmem>>) attributes {dimension_semantics = [#tpu.dimension_semantics<arbitrary>], iteration_bounds = array<i64: 4>, scalar_prefetch = 0 : i64, scratch_operands = 0 : i64, tpu.core_type = #tpu.core_type<tc>, window_params = [{transform_indices = @transform_0, window_bounds = array<i64: 512, 1024>}, {transform_indices = @transform_1, window_bounds = array<i64: 512, 1024>}, {transform_indices = @transform_2, window_bounds = array<i64: 512, 1024>}, {transform_indices = @transform_3, window_bounds = array<i64: 512, 8>}, {transform_indices = @transform_4, window_bounds = array<i64: 512, 1024>}]} {
    %get3A = arith.constant 0 : index
    %get3A_0 = arith.constant 0 : index
    %get3A_1 = vector.load %arg1[%get3A, %get3A_0] : memref<512x1024xf32, #tpu.memory_space<vmem>>, vector<512x1024xf32>
    %get3A_2 = arith.constant 0 : index
    %get3A_3 = arith.constant 2 : index
    %get3A_4 = vector.load %arg4[%get3A_2, %get3A_3] : memref<512x8xf32, #tpu.memory_space<vmem>>, vector<512x1xf32>
    %mul3A = vector.broadcast %get3A_4 : vector<512x1xf32> to vector<512x1024xf32>
    %mul3A_5 = arith.mulf %get3A_1, %mul3A : vector<512x1024xf32>
    %get3A_6 = arith.constant 0 : index
    %get3A_7 = arith.constant 0 : index
    %get3A_8 = vector.load %arg2[%get3A_6, %get3A_7] : memref<512x1024xf32, #tpu.memory_space<vmem>>, vector<512x1024xf32>
    %get3A_9 = arith.constant 0 : index
    %get3A_10 = arith.constant 0 : index
    %get3A_11 = vector.load %arg4[%get3A_9, %get3A_10] : memref<512x8xf32, #tpu.memory_space<vmem>>, vector<512x1xf32>
    %mul3A_12 = vector.broadcast %get3A_11 : vector<512x1xf32> to vector<512x1024xf32>
    %mul3A_13 = arith.mulf %get3A_8, %mul3A_12 : vector<512x1024xf32>
    %add3A = arith.addf %mul3A_5, %mul3A_13 : vector<512x1024xf32>
    %get3A_14 = arith.constant 0 : index
    %get3A_15 = arith.constant 0 : index
    %get3A_16 = vector.load %arg3[%get3A_14, %get3A_15] : memref<512x1024xf32, #tpu.memory_space<vmem>>, vector<512x1024xf32>
    %get3A_17 = arith.constant 0 : index
    %get3A_18 = arith.constant 1 : index
    %get3A_19 = vector.load %arg4[%get3A_17, %get3A_18] : memref<512x8xf32, #tpu.memory_space<vmem>>, vector<512x1xf32>
    %mul3A_20 = vector.broadcast %get3A_19 : vector<512x1xf32> to vector<512x1024xf32>
    %mul3A_21 = arith.mulf %get3A_16, %mul3A_20 : vector<512x1024xf32>
    %add3A_22 = arith.addf %add3A, %mul3A_21 : vector<512x1024xf32>
    %swap3A = arith.constant 0 : index
    %swap3A_23 = arith.constant 0 : index
    %swap3A_24 = vector.load %arg5[%swap3A, %swap3A_23] : memref<512x1024xf32, #tpu.memory_space<vmem>>, vector<512x1024xf32>
    tpu.vector_store %arg5[%swap3A, %swap3A_23], %add3A_22 {strides = array<i32>} : memref<512x1024xf32, #tpu.memory_space<vmem>>, vector<512x1024xf32>,
    return
  }
  func.func @transform_0(%arg0: i32) -> (i32, i32) {
    %c0_i32 = arith.constant 0 : i32
    %c0_i32_0 = arith.constant 0 : i32
    return %arg0, %c0_i32 : i32, i32
  }
  func.func @transform_1(%arg0: i32) -> (i32, i32) {
    %c0_i32 = arith.constant 0 : i32
    %c0_i32_0 = arith.constant 0 : i32
    return %arg0, %c0_i32 : i32, i32
  }
  func.func @transform_2(%arg0: i32) -> (i32, i32) {
    %c0_i32 = arith.constant 0 : i32
    %c0_i32_0 = arith.constant 0 : i32
    return %arg0, %c0_i32 : i32, i32
  }
  func.func @transform_3(%arg0: i32) -> (i32, i32) {
    %c0_i32 = arith.constant 0 : i32
    %c0_i32_0 = arith.constant 0 : i32
    return %arg0, %c0_i32 : i32, i32
  }
  func.func @transform_4(%arg0: i32) -> (i32, i32) {
    %c0_i32 = arith.constant 0 : i32
    %c0_i32_0 = arith.constant 0 : i32
    return %arg0, %c0_i32 : i32, i32
  }
}

</mosaic_0001>

<sc_bundles>
// kernel: kernel.11.cloned.1.call-start
scs
__scs_entry_jumppad:
0x0: {  	(pc) =	sbr.rel $0x88, $3  }
0x1: {  	(tag) =	ssettag $0x0;
	lr =	simm.s32 $0x1  }
0x2: {  	[smem:$0x3F92] =	sst lr;
	_ =	strace $0xD0000000  }
0x3: {  	_ = 	snop  }
0x4: {  	_ = 	snop  }
0x5: {  	_ = 	snop  }
0x6: {  	_ = 	snop  }
0x7: {  	_ = 	snop  }
__scs_overlays_trampoline_lowered:
0x8: {  	[smem:$0x3FA1] =	sst s0  }
0x9: {  	[smem:$0x3FA2] =	sst s1  }
0xa: {  	[smem:$0x3FA3] =	sst s2  }
0xb: {  	[smem:$0x3FA4] =	sst s3  }
0xc: {  	[smem:$0x3FA5] =	sst s4  }
0xd: {  	[smem:$0x3FA6] =	sst s5  }
0xe: {  	[smem:$0x3FA7] =	sst s6  }
0xf: {  	[smem:$0x3FA8] =	sst s7  }
0x10: {  	[smem:$0x3FA9] =	sst s8  }
0x11: {  	[smem:$0x3FAA] =	sst s9;
	s0 =	simm.s32 @!p0 $0x0  }
0x12: {  	s1 =	sld [smem:$0x3F90];
	s0 =	simm.s32 @p0 $0x1  }
0x13: {  	[smem:$0x3FAB] =	sst s0;
	s0 =	simm.s32 @!p1 $0x0  }
0x14: {  	s2 =	sld [smem:$0x3F8F];
	s0 =	simm.s32 @p1 $0x1  }
0x15: {  	[smem:$0x3FAC] =	sst s0;
	s0 =	simm.s32 @!p2 $0x0  }
0x16: {  	s3 =	sld [smem:$0x3FDB];
	s0 =	simm.s32 @p2 $0x1  }
0x17: {  	s4 =	simm.s32 $0x1BF5;
	[smem:$0x3FAE] =	sst s0  }
0x18: {  	s0 =	sld [smem:$0x3F91];
	_ =	swait.ge [sflag:s4], $0x0  }
0x19: {  	s7 =	sld [smem:$0x3F92]  }
0x1a: {  	s8 =	sadd.s32 $0xFFFFE003, lr  }
0x1b: {  	s9 =	sadd.s32 $0xFFFFFEF7, lr;
	s5 =	simm.s32 $0xFFFFFFFF;
	p2 =	slt.u32 s8, $0xFFFFF086  }
0x1c: {  	p1 =	slt.u32 s9, $0xF7A;
	s5 =	simm.s32 @!p2 $0x0  }
0x1d: {  	s5 =	simm.s32 @p1 $0x1;
	p0 =	seq.s32 s7, s2  }
0x1e: {  	s7 =	smul.u32 @!p0 $0xF7A, s2;
	p2 =	seq.s32 @!p0 s5, $0x0  }
0x1f: {  	s9 =	smul.u32 $0xF7A, s1;
	s8 =	simm.s32 @!p0 $0x1BF5;
	p2 =	por !p2, p0  }
0x20: {  	[sflag:s8] =	ssyncset.s32 @!p0 $0xFFFFF086;
	s6 =	sadd.s32 @!p0 s3, s7;
	s7 =	simm.s32 @!p0 $0x108  }
0x21: {  	s3 =	sadd.s32 s3, s9;
	s6 =	sadd.s32 @!p0 $0x88, s6;
	s7 =	simm.s32 @p2 $0x1082  }
0x22: {  	[simem:s7], [sflag:s8] =	dma.local @!p0 [hbm:s6], $0xF7A  }
0x23: {  	s9 =	sor.u32 $0xD0000000, s2;
	s6 =	simm.s32 $0x108;
	_ =	swait.ge @!p0 [sflag:s8], $0x0  }
0x24: {  	s3 =	sadd.s32 $0x88, s3;
	s6 =	simm.s32 @!p1 $0x1082;
	[sflag:s4] =	ssyncset.s32 $0xFFFFF086  }
0x25: {  	[simem:s6], [sflag:s4] =	dma.local [hbm:s3], $0xF7A  }
0x26: {  	[smem:$0x3F92] =	sst s1;
	(tag) =	ssettag s2;
	_ =	strace s9  }
0x27: {  	s1 =	sld [smem:$0x3FA2]  }
0x28: {  	s2 =	sld [smem:$0x3FA3]  }
0x29: {  	s4 =	sld [smem:$0x3FA5]  }
0x2a: {  	p0 =	seq.s32 s5, $0x0;
	s5 =	sld [smem:$0x3FA6]  }
0x2b: {  	s6 =	sld [smem:$0x3FA7]  }
0x2c: {  	s7 =	sld [smem:$0x3FA8]  }
0x2d: {  	s3 =	simm.s32 $0x108;
	s8 =	sld [smem:$0x3FA9]  }
0x2e: {  	s3 =	simm.s32 @!p0 $0x1082;
	s9 =	sld [smem:$0x3FAA]  }
0x2f: {  	lr =	sadd.s32 s0, s3;
	s0 =	sld [smem:$0x3FA1]  }
0x30: {  	s3 =	sld [smem:$0x3FA4]  }
0x31: {  	[smem:$0x3FAD] =	sst s10  }
0x32: {  	s10 =	sld [smem:$0x3FAB];
	_ =	sdelay $0x3  }
0x33: {  	p0 =	seq.s32 s10, $0x1;
	s10 =	sld [smem:$0x3FAD];
	_ =	sdelay $0x3  }
0x34: {  	[smem:$0x3FAD] =	sst s10  }
0x35: {  	s10 =	sld [smem:$0x3FAC];
	_ =	sdelay $0x3  }
0x36: {  	p1 =	seq.s32 s10, $0x1;
	s10 =	sld [smem:$0x3FAD];
	_ =	sdelay $0x3  }
0x37: {  	[smem:$0x3FAD] =	sst s10  }
0x38: {  	s10 =	sld [smem:$0x3FAE]  }
0x39: {  	_ = 	snop;
	(pc) =	sbr.ind lr, $3  }
0x3a: {  	_ = 	snop  }
0x3b: {  	_ = 	snop  }
0x3c: {  	p2 =	seq.s32 s10, $0x1;
	s10 =	sld [smem:$0x3FAD]  }
0x3d: {  	_ =	shalt  }
0x3e: {  	_ =	shalt  }
0x3f: {  	_ =	shalt  }
0x40: {  	_ =	shalt  }
0x41: {  	_ =	shalt  }
0x42: {  	_ =	shalt  }
0x43: {  	_ =	shalt  }
0x44: {  	_ =	shalt  }
0x45: {  	_ =	shalt  }
0x46: {  	_ =	shalt  }
0x47: {  	_ =	shalt  }
0x48: {  	_ =	shalt  }
0x49: {  	_ =	shalt  }
0x4a: {  	_ =	shalt  }
0x4b: {  	_ =	shalt  }
0x4c: {  	_ =	shalt  }
0x4d: {  	_ =	shalt  }
0x4e: {  	_ =	shalt  }
0x4f: {  	_ =	shalt  }
0x50: {  	_ =	shalt  }
0x51: {  	_ =	shalt  }
0x52: {  	_ =	shalt  }
0x53: {  	_ =	shalt  }
0x54: {  	_ =	shalt  }
0x55: {  	_ =	shalt  }
0x56: {  	_ =	shalt  }
0x57: {  	_ =	shalt  }
0x58: {  	_ =	shalt  }
0x59: {  	_ =	shalt  }
0x5a: {  	_ =	shalt  }
0x5b: {  	_ =	shalt  }
0x5c: {  	_ =	shalt  }
0x5d: {  	_ =	shalt  }
0x5e: {  	_ =	shalt  }
0x5f: {  	_ =	shalt  }
0x60: {  	_ =	shalt  }
0x61: {  	_ =	shalt  }
0x62: {  	_ =	shalt  }
0x63: {  	_ =	shalt  }
0x64: {  	_ =	shalt  }
0x65: {  	_ =	shalt  }
0x66: {  	_ =	shalt  }
0x67: {  	_ =	shalt  }
0x68: {  	_ =	shalt  }
0x69: {  	_ =	shalt  }
0x6a: {  	_ =	shalt  }
0x6b: {  	_ =	shalt  }
0x6c: {  	_ =	shalt  }
0x6d: {  	_ =	shalt  }
0x6e: {  	_ =	shalt  }
0x6f: {  	_ =	shalt  }
0x70: {  	_ =	shalt  }
0x71: {  	_ =	shalt  }
0x72: {  	_ =	shalt  }
0x73: {  	_ =	shalt  }
0x74: {  	_ =	shalt  }
0x75: {  	_ =	shalt  }
0x76: {  	_ =	shalt  }
0x77: {  	_ =	shalt  }
0x78: {  	_ =	shalt  }
0x79: {  	_ =	shalt  }
0x7a: {  	_ =	shalt  }
0x7b: {  	_ =	shalt  }
0x7c: {  	_ =	shalt  }
0x7d: {  	_ =	shalt  }
0x7e: {  	_ =	shalt  }
0x7f: {  	_ =	shalt  }
0x80: {  	_ =	shalt  }
0x81: {  	_ =	shalt  }
0x82: {  	_ =	shalt  }
0x83: {  	_ =	shalt  }
0x84: {  	_ =	shalt  }
0x85: {  	_ =	shalt  }
0x86: {  	_ =	shalt  }
0x87: {  	_ =	shalt  }
.Lfunc_end0:
.L_simem_size_0:
called_computation.1_lowered:
.L_overlay_start_0:
0x88: {  	s2 =	sld [smem:$0x3FD9]  }
0x89: {  	s3 =	sld [smem:$0x3FFE];
	_ =	sdelay $0x1  }
0x8a: {  	s1 =	srdreg.scid  }
0x8b: {  	s0 =	sand.u32 $0x1, s1  }
0x8c: {  	s16 =	sshll.u32 s0, $0xA;
	s2 =	sadd.s32 s3, s2  }
0x8d: {  	s2 =	sadd.s32 s2, s16  }
0x8e: {  	[smem:$0x3FB9] =	sst s2  }
0x8f: {  	_ = 	snop  }
0x90: {  	(tm) =	ssettm $0x1  }
0x91: {  	s17 =	sld [smem:$0x3FFB];
	_ =	sdelay $0x3  }
0x92: {  	_ =	strace s17  }
0x93: {  	s2 =	sld [smem:$0x3FFC];
	_ =	sdelay $0x3  }
0x94: {  	_ =	strace s2  }
0x95: {  	s2 =	sld [smem:$0x3FFD];
	_ =	sdelay $0x3  }
0x96: {  	_ =	strace s2  }
0x97: {  	_ =	strace $0x8FFFFFFF  }
0x98: {  	s18 =	sld [smem:$0x3FDB];
	_ =	sdelay $0x1  }
0x99: {  	s19 =	simm.s32 $_scs_section_size  }
0x9a: {  	s4 =	simm.s32 $_size__tile_overlayer_lowered;
	s5 =	simm.s32 $_tile_overlayer_lowered  }
0x9b: {  	s22 =	simm.s32 $0x1BFF;
	s21 =	sshll.u32 s5, $0x1;
	s2 =	sadd.s32 s19, s18  }
0x9c: {  	s6 =	simm.s32 $0x0;
	s20 =	sshll.u32 s4, $0x1;
	s4 =	sadd.s32 s21, s2  }
0x9d: {  	[timem:s6], [sflag:s22] =	dma.local [hbm:s4], s20  }
0x9e: {  	_ =	swait.ge [sflag:s22], s20  }
0x9f: {  	s3 =	ssub.s32 $0x0, s20;
	[sflag:s22] =	ssyncset.done $0x0  }
0xa0: {  	[sflag:s22] =	ssyncadd.s32 s3;
	_ =	sdelay $0x1  }
0xa1: {  	s23 =	simm.s32 $0x1B8B  }
0xa2: {  	_ =	swait.ge [sflag:s23], $0x1  }
0xa3: {  	[sflag:s23] =	ssyncset.done $0x0  }
0xa4: {  	s25 =	simm.s32 $0x1B8E;
	s24 =	sld [smem:$0x3FFE];
	[sflag:s23] =	ssyncadd.s32 $0xFFFFFFFF  }
0xa5: {  	s26 =	simm.s32 $execute0_lowered;
	[smem:$0x3FD2] =	sst s25  }
0xa6: {  	s4 =	sshll.u32 s26, $0x1;
	_ =	strace $0x80000049;
	[dreg:$0x1] =	wrdreg $0xFFFFFFFF  }
0xa7: {  	s28 =	simm.s32 $_size_execute0_lowered;
	s2 =	sadd.s32 s2, s4;
	[dreg:$0x0] =	wrdreg $0x0  }
0xa8: {  	s4 =	sshll.u32 s28, $0x1;
	[dreg:$0x2] =	wrdreg s2  }
0xa9: {  	[dreg:$0x3] =	wrdreg s4  }
0xaa: {  	[dreg:$0x4] =	wrdreg $0xC0  }
0xab: {  	_ =	task [dreg:s6], $0x5FFFF  }
0xac: {  	[dreg:$0x1] =	wrdreg $0xFFFFFFFF  }
0xad: {  	[dreg:$0x0] =	wrdreg $0x60  }
0xae: {  	[dreg:$0x2] =	wrdreg s24  }
0xaf: {  	[dreg:$0x3] =	wrdreg $0x9  }
0xb0: {  	_ =	task.clear_ibuf [dreg:s6], $0x4FFFF;
	_ =	strace $0x90000049  }
0xb1: {  	s29 =	simm.s32 $0x9;
	_ =	strace $0x8000004B  }
0xb2: {  	_ =	swait.ge [sflag:s29], $0x1  }
0xb3: {  	[sflag:s29] =	ssyncadd.s32 $0xFFFFFFFF  }
0xb4: {  	_ =	strace $0x9000004B  }
0xb5: {  	_ =	sfence  }
0xb6: {  	s30 =	sld [smem:$0x0];
	_ =	sdelay $0x2  }
0xb7: {  	s31 =	sshll.u32 s1, $0xD;
	s1 =	sshrl.u32 s1, $0x2  }
0xb8: {  	s3 =	sand.u32 $0x4000, s31;
	s1 =	sadd.s32 s1, s30  }
0xb9: {  	s0 =	sor.u32 s3, s0;
	s1 =	sshll.u32 s1, $0x11  }
0xba: {  	s0 =	sor.u32 s1, s0  }
0xbb: {  	s0 =	sadd.s32 $0x8F2B, s0  }
0xbc: {  	[sflag:s0] =	ssyncadd.remote.s32 $0x1  }
0xbd: {  	_ =	sfence.sel $0xFFFF  }
0xbe: {  	[dreg:$0x0] =	wrdreg $0xFFFFFFFF;
	(pc) =	sbr.abs _section_cstart, $3  }
0xbf: {  	[dreg:$0x1] =	wrdreg $0xFFFFFFFF  }
0xc0: {  	_ =	task.clear_ibuf [dreg:s6], $0x2FFFF;
	_ =	strace $0x9FFFFFFF  }
0xc1: {  	(tm) =	ssettm $0x7FFFFFFF  }
tec
execute0_lowered:
.L_overlay_start_1:
0x0: {  	(tag) =	ssettag $0x1  }
0x1: {  	s0 =	rddreg [dreg:$0x0];
	s1 =	srdreg.scid  }
0x2: {  	s2 =	simm.s32 $0x0;
	s4 =	stileid.u32;
	s8 =	simm.s32 $0x100  }
0x3: {  	s9 =	simm.s32 $0x3;
	s23 =	simm.s32 $0xB00;
	s24 =	simm.s32 $0x1300  }
0x4: {  	s28 =	simm.s32 $0x2B00;
	s29 =	simm.s32 $0x3300;
	s30 =	simm.s32 $0x3B00  }
0x5: {  	s31 =	simm.s32 $0x4300;
	s11 =	simm.s32 $0x5B00;
	s12 =	simm.s32 $0x6300  }
0x6: {  	s13 =	simm.s32 $0x6B00;
	s14 =	simm.s32 $0x7300;
	s15 =	simm.s32 $0x7B00  }
0x7: {  	s16 =	simm.s32 $0x8300;
	s17 =	simm.s32 $0x8B00;
	s18 =	simm.s32 $0x9300  }
0x8: {  	s19 =	simm.s32 $0x9B00;
	s20 =	simm.s32 $0xA300;
	s1 =	sand.u32 $0x1, s1  }
0x9: {  	s21 =	simm.s32 $0xAB00;
	[smem:$0x7FF] =	sst s2;
	s3 =	sshll.u32 s1, $0x4  }
0xa: {  	s10 =	simm.s32 $0xB300;
	_ =	strace $0x8000004A;
	s4 =	sor.u32 s4, s3  }
0xb: {  	s1 =	ssub.s32 $0x2, s1;
	s3 =	sadd.s32 $0x102400, s0;
	s5 =	sshll.u32 s4, $0x6  }
0xc: {  	v10 =	vlaneseq.u32;
	s6 =	sshrl.u32 s1, $0x1;
	s4 =	sshll.u32 s4, $0xD;
	s5 =	sadd.s32 s5, s0  }
0xd: {  	v0 =	vmul.u32 $0x8, v10;
	s1 =	ssub.s32 s1, s6;
	s7 =	sadd.s32 s4, s0;
	s25 =	sadd.s32 $0x1400, s5  }
0xe: {  	vm0 =	vmmov $0xffff;
	v9 =	vshrl.u32 v10, $0x3;
	v8 =	vand.u32 $0x7, v10;
	s6 =	sadd.s32 $0x102700, s0;
	s26 =	sadd.s32 $0x1C00, s7;
	[dreg:$0x2] =	wrdreg s25  }
0xf: {  	v10 =	vor.u32 $0x8, v10;
	v9 =	vmul.u32 $0x8, v9;
	v1 =	vor.u32 $0x1, v0;
	s4 =	sadd.s32 $0x102500, s0;
	s7 =	sadd.s32 $0x41C00, s7;
	[dreg:$0x3] =	wrdreg s26  }
0x10: {  	v2 =	vor.u32 $0x80, v0;
	v3 =	vor.u32 $0x81, v0;
	v4 =	vor.u32 $0x100, v0;
	s5 =	sadd.s32 $0x102600, s0;
	[dreg:$0x4] =	wrdreg s7;
	s7 =	smax.u32 s1, $0x1  }
0x11: {  	v5 =	vor.u32 $0x101, v0;
	v6 =	vor.u32 $0x180, v0;
	v7 =	vor.u32 $0x181, v0;
	s1 =	simm.s32 $0x300;
	s25 =	simm.s32 $0x1B00;
	s26 =	simm.s32 $0x2300  }
.LBB2_1:
0x12: {  	s22 =	rddreg [dreg:$0x2]  }
0x13: {  	[tilespmem:s8], [sflag:$0x3] =	stream.linear.gather [hbm4b:s22+s2], $0x200, $0x38;
	[tilespmem:$0x10300] =	vst v63  }
0x14: {  	_ =	swait.ge [sflag:s9], $0x200  }
0x15: {  	[sflag:s9] =	ssyncset.done $0x0  }
0x16: {  	[sflag:s9] =	ssyncadd.s32 $0xFFFFFE00  }
0x17: {  	v11 =	vld.idx.msk [tilespmem:v0+s8+$0x0], $0xffff;
	_ =	sdelay $0x4  }
0x18: {  	[tilespmem:$0x0] =	vst v11  }
0x19: {  	v11 =	vld.idx.msk [tilespmem:v1+s8+$0x0], $0xffff;
	_ =	sdelay $0x4  }
0x1a: {  	[tilespmem:$0x80] =	vst v11  }
0x1b: {  	v11 =	vld.idx.msk [tilespmem:v2+s8+$0x0], $0xffff;
	_ =	sdelay $0x4  }
0x1c: {  	[tilespmem:$0x10] =	vst v11  }
0x1d: {  	v11 =	vld.idx.msk [tilespmem:v3+s8+$0x0], $0xffff;
	_ =	sdelay $0x4  }
0x1e: {  	[tilespmem:$0x90] =	vst v11  }
0x1f: {  	v11 =	vld.idx.msk [tilespmem:v4+s8+$0x0], $0xffff;
	_ =	sdelay $0x4  }
0x20: {  	[tilespmem:$0x20] =	vst v11  }
0x21: {  	v11 =	vld.idx.msk [tilespmem:v5+s8+$0x0], $0xffff;
	_ =	sdelay $0x2  }
0x22: {  	v12 =	vld [tilespmem:$0x0];
	_ =	sdelay $0x1  }
0x23: {  	[tilespmem:$0xA0] =	vst v11  }
0x24: {  	v11 =	vld.idx.msk [tilespmem:v6+s8+$0x0], $0xffff;
	_ =	sdelay $0x1  }
0x25: {  	v13 =	vshll.u32 v12, $0x3  }
0x26: {  	v12 =	vand.u32 $0x7, v12;
	v13 =	vand.u32 $0xFFFFFFC0, v13  }
0x27: {  	v12 =	vor.u32 v12, v13  }
0x28: {  	[tilespmem:$0x30] =	vst v11;
	v11 =	vperm.xlane v12, v8  }
0x29: {  	v56 =	vld.idx.msk [tilespmem:v7+s8+$0x0], $0xffff  }
0x2a: {  	v11 =	vadd.s32 v9, v11;
	_ =	sdelay $0x3  }
0x2b: {  	[tilespmem:$0xB0] =	vst v56  }
0x2c: {  	[tilespmem:s1], [sflag:$0x1] =	stream.indirect_vreg.gather [hbm4b:s3+s2], $0x80, v11, vm0, $0xb8;
	[tilespmem:$0x10300] =	vst v63  }
0x2d: {  	v12 =	vperm.xlane v12, v10  }
0x2e: {  	[tilespmem:s23], [sflag:$0x1] =	stream.indirect_vreg.gather [hbm4b:s4+s2], $0x80, v11, vm0, $0xb8;
	[tilespmem:$0x10300] =	vst v63  }
0x2f: {  	v12 =	vadd.s32 v9, v12  }
0x30: {  	[tilespmem:s24], [sflag:$0x1] =	stream.indirect_vreg.gather [hbm4b:s5+s2], $0x80, v11, vm0, $0xb8;
	[tilespmem:$0x10300] =	vst v63  }
0x31: {  	_ = 	snop  }
0x32: {  	[tilespmem:s25], [sflag:$0x1] =	stream.indirect_vreg.gather [hbm4b:s6+s2], $0x80, v11, vm0, $0xb8;
	[tilespmem:$0x10300] =	vst v63  }
0x33: {  	_ = 	snop  }
0x34: {  	[tilespmem:s26], [sflag:$0x1] =	stream.indirect_vreg.gather [hbm4b:s3+s2], $0x80, v12, vm0, $0xb8;
	[tilespmem:$0x10300] =	vst v63  }
0x35: {  	_ = 	snop  }
0x36: {  	[tilespmem:s28], [sflag:$0x1] =	stream.indirect_vreg.gather [hbm4b:s4+s2], $0x80, v12, vm0, $0xb8;
	[tilespmem:$0x10300] =	vst v63  }
0x37: {  	_ = 	snop  }
0x38: {  	[tilespmem:s29], [sflag:$0x1] =	stream.indirect_vreg.gather [hbm4b:s5+s2], $0x80, v12, vm0, $0xb8;
	[tilespmem:$0x10300] =	vst v63  }
0x39: {  	_ = 	snop  }
0x3a: {  	[tilespmem:s30], [sflag:$0x1] =	stream.indirect_vreg.gather [hbm4b:s6+s2], $0x80, v12, vm0, $0xb8;
	[tilespmem:$0x10300] =	vst v63  }
0x3b: {  	v11 =	vld [tilespmem:$0x10];
	_ =	sdelay $0x4  }
0x3c: {  	v57 =	vshll.u32 v11, $0x3  }
0x3d: {  	v11 =	vand.u32 $0x7, v11;
	v12 =	vand.u32 $0xFFFFFFC0, v57  }
0x3e: {  	v11 =	vor.u32 v11, v12  }
0x3f: {  	v12 =	vperm.xlane v11, v8;
	_ =	sdelay $0x1  }
0x40: {  	v12 =	vadd.s32 v9, v12;
	_ =	sdelay $0x4  }
0x41: {  	[tilespmem:s31], [sflag:$0x1] =	stream.indirect_vreg.gather [hbm4b:s3+s2], $0x80, v12, vm0, $0xb8;
	[tilespmem:$0x10300] =	vst v63  }
0x42: {  	s0 =	simm.s32 $0x4B00;
	v11 =	vperm.xlane v11, v10  }
0x43: {  	[tilespmem:s0], [sflag:$0x1] =	stream.indirect_vreg.gather [hbm4b:s4+s2], $0x80, v12, vm0, $0xb8;
	[tilespmem:$0x10300] =	vst v63  }
0x44: {  	s22 =	simm.s32 $0x5300;
	v11 =	vadd.s32 v9, v11  }
0x45: {  	[tilespmem:s22], [sflag:$0x1] =	stream.indirect_vreg.gather [hbm4b:s5+s2], $0x80, v12, vm0, $0xb8;
	[tilespmem:$0x10300] =	vst v63  }
0x46: {  	_ = 	snop  }
0x47: {  	[tilespmem:s11], [sflag:$0x1] =	stream.indirect_vreg.gather [hbm4b:s6+s2], $0x80, v12, vm0, $0xb8;
	[tilespmem:$0x10300] =	vst v63  }
0x48: {  	_ = 	snop  }
0x49: {  	[tilespmem:s12], [sflag:$0x1] =	stream.indirect_vreg.gather [hbm4b:s3+s2], $0x80, v11, vm0, $0xb8;
	[tilespmem:$0x10300] =	vst v63  }
0x4a: {  	_ = 	snop  }
0x4b: {  	[tilespmem:s13], [sflag:$0x1] =	stream.indirect_vreg.gather [hbm4b:s4+s2], $0x80, v11, vm0, $0xb8;
	[tilespmem:$0x10300] =	vst v63  }
0x4c: {  	_ = 	snop  }
0x4d: {  	[tilespmem:s14], [sflag:$0x1] =	stream.indirect_vreg.gather [hbm4b:s5+s2], $0x80, v11, vm0, $0xb8;
	[tilespmem:$0x10300] =	vst v63  }
0x4e: {  	_ = 	snop  }
0x4f: {  	[tilespmem:s15], [sflag:$0x1] =	stream.indirect_vreg.gather [hbm4b:s6+s2], $0x80, v11, vm0, $0xb8;
	[tilespmem:$0x10300] =	vst v63  }
0x50: {  	v11 =	vld [tilespmem:$0x20];
	_ =	sdelay $0x4  }
0x51: {  	v58 =	vshll.u32 v11, $0x3  }
0x52: {  	v11 =	vand.u32 $0x7, v11;
	v12 =	vand.u32 $0xFFFFFFC0, v58  }
0x53: {  	v11 =	vor.u32 v11, v12  }
0x54: {  	v12 =	vperm.xlane v11, v8;
	_ =	sdelay $0x1  }
0x55: {  	v12 =	vadd.s32 v9, v12;
	_ =	sdelay $0x4  }
0x56: {  	[tilespmem:s16], [sflag:$0x1] =	stream.indirect_vreg.gather [hbm4b:s3+s2], $0x80, v12, vm0, $0xb8;
	[tilespmem:$0x10300] =	vst v63  }
0x57: {  	v11 =	vperm.xlane v11, v10  }
0x58: {  	[tilespmem:s17], [sflag:$0x1] =	stream.indirect_vreg.gather [hbm4b:s4+s2], $0x80, v12, vm0, $0xb8;
	[tilespmem:$0x10300] =	vst v63  }
0x59: {  	v11 =	vadd.s32 v9, v11  }
0x5a: {  	[tilespmem:s18], [sflag:$0x1] =	stream.indirect_vreg.gather [hbm4b:s5+s2], $0x80, v12, vm0, $0xb8;
	[tilespmem:$0x10300] =	vst v63  }
0x5b: {  	_ = 	snop  }
0x5c: {  	[tilespmem:s19], [sflag:$0x1] =	stream.indirect_vreg.gather [hbm4b:s6+s2], $0x80, v12, vm0, $0xb8;
	[tilespmem:$0x10300] =	vst v63  }
0x5d: {  	_ = 	snop  }
0x5e: {  	[tilespmem:s20], [sflag:$0x1] =	stream.indirect_vreg.gather [hbm4b:s3+s2], $0x80, v11, vm0, $0xb8;
	[tilespmem:$0x10300] =	vst v63  }
0x5f: {  	_ = 	snop  }
0x60: {  	[tilespmem:s21], [sflag:$0x1] =	stream.indirect_vreg.gather [hbm4b:s4+s2], $0x80, v11, vm0, $0xb8;
	[tilespmem:$0x10300] =	vst v63  }
0x61: {  	_ = 	snop  }
0x62: {  	[tilespmem:s10], [sflag:$0x1] =	stream.indirect_vreg.gather [hbm4b:s5+s2], $0x80, v11, vm0, $0xb8;
	[tilespmem:$0x10300] =	vst v63  }
0x63: {  	s22 =	simm.s32 $0xBB00  }
0x64: {  	[tilespmem:s22], [sflag:$0x1] =	stream.indirect_vreg.gather [hbm4b:s6+s2], $0x80, v11, vm0, $0xb8;
	[tilespmem:$0x10300] =	vst v63  }
0x65: {  	v11 =	vld [tilespmem:$0x30];
	_ =	sdelay $0x4  }
0x66: {  	v59 =	vshll.u32 v11, $0x3  }
0x67: {  	v11 =	vand.u32 $0x7, v11;
	v12 =	vand.u32 $0xFFFFFFC0, v59  }
0x68: {  	v11 =	vor.u32 v11, v12  }
0x69: {  	v12 =	vperm.xlane v11, v8;
	_ =	sdelay $0x1  }
0x6a: {  	v12 =	vadd.s32 v9, v12;
	_ =	sdelay $0x3  }
0x6b: {  	s22 =	simm.s32 $0xC300  }
0x6c: {  	[tilespmem:s22], [sflag:$0x1] =	stream.indirect_vreg.gather [hbm4b:s3+s2], $0x80, v12, vm0, $0xb8;
	[tilespmem:$0x10300] =	vst v63  }
0x6d: {  	v11 =	vperm.xlane v11, v10;
	s22 =	simm.s32 $0xCB00  }
0x6e: {  	[tilespmem:s22], [sflag:$0x1] =	stream.indirect_vreg.gather [hbm4b:s4+s2], $0x80, v12, vm0, $0xb8;
	[tilespmem:$0x10300] =	vst v63  }
0x6f: {  	v11 =	vadd.s32 v9, v11;
	s22 =	simm.s32 $0xD300  }
0x70: {  	[tilespmem:s22], [sflag:$0x1] =	stream.indirect_vreg.gather [hbm4b:s5+s2], $0x80, v12, vm0, $0xb8;
	[tilespmem:$0x10300] =	vst v63  }
0x71: {  	s22 =	simm.s32 $0xDB00  }
0x72: {  	[tilespmem:s22], [sflag:$0x1] =	stream.indirect_vreg.gather [hbm4b:s6+s2], $0x80, v12, vm0, $0xb8;
	[tilespmem:$0x10300] =	vst v63  }
0x73: {  	s22 =	simm.s32 $0xE300  }
0x74: {  	[tilespmem:s22], [sflag:$0x1] =	stream.indirect_vreg.gather [hbm4b:s3+s2], $0x80, v11, vm0, $0xb8;
	[tilespmem:$0x10300] =	vst v63  }
0x75: {  	s22 =	simm.s32 $0xEB00  }
0x76: {  	[tilespmem:s22], [sflag:$0x1] =	stream.indirect_vreg.gather [hbm4b:s4+s2], $0x80, v11, vm0, $0xb8;
	[tilespmem:$0x10300] =	vst v63  }
0x77: {  	s22 =	simm.s32 $0xF300  }
0x78: {  	[tilespmem:s22], [sflag:$0x1] =	stream.indirect_vreg.gather [hbm4b:s5+s2], $0x80, v11, vm0, $0xb8;
	[tilespmem:$0x10300] =	vst v63  }
0x79: {  	s0 =	simm.s32 $0x1;
	s22 =	simm.s32 $0xFB00  }
0x7a: {  	[tilespmem:s22], [sflag:$0x1] =	stream.indirect_vreg.gather [hbm4b:s6+s2], $0x80, v11, vm0, $0xb8;
	[tilespmem:$0x10300] =	vst v63  }
0x7b: {  	_ =	swait.ge [sflag:s0], $0x10000  }
0x7c: {  	[sflag:s0] =	ssyncset.done $0x0  }
0x7d: {  	s22 =	rddreg [dreg:$0x3];
	[sflag:s0] =	ssyncadd.s32 $0xFFFF0000  }
0x7e: {  	[hbm4b:s22+s2] =	stream.linear.scatter [tilespmem:s1], [sflag:$0x3], $0x10000, $0x38;
	[tilespmem:$0x10300] =	vst v63  }
0x7f: {  	_ =	swait.ge [sflag:s9], $0x10000  }
0x80: {  	[sflag:s9] =	ssyncset.done $0x0  }
0x81: {  	[sflag:s9] =	ssyncadd.s32 $0xFFFF0000  }
0x82: {  	v11 =	vld [tilespmem:$0x80];
	_ =	sdelay $0x4  }
0x83: {  	v60 =	vshll.u32 v11, $0x3  }
0x84: {  	v11 =	vand.u32 $0x7, v11;
	v12 =	vand.u32 $0xFFFFFFC0, v60  }
0x85: {  	v11 =	vor.u32 v11, v12  }
0x86: {  	v12 =	vperm.xlane v11, v8;
	_ =	sdelay $0x1  }
0x87: {  	v12 =	vadd.s32 v9, v12;
	_ =	sdelay $0x4  }
0x88: {  	[tilespmem:s1], [sflag:$0x2] =	stream.indirect_vreg.gather [hbm4b:s3+s2], $0x80, v12, vm0, $0xb8;
	[tilespmem:$0x10300] =	vst v63  }
0x89: {  	v11 =	vperm.xlane v11, v10  }
0x8a: {  	[tilespmem:s23], [sflag:$0x2] =	stream.indirect_vreg.gather [hbm4b:s4+s2], $0x80, v12, vm0, $0xb8;
	[tilespmem:$0x10300] =	vst v63  }
0x8b: {  	v11 =	vadd.s32 v9, v11  }
0x8c: {  	[tilespmem:s24], [sflag:$0x2] =	stream.indirect_vreg.gather [hbm4b:s5+s2], $0x80, v12, vm0, $0xb8;
	[tilespmem:$0x10300] =	vst v63  }
0x8d: {  	_ = 	snop  }
0x8e: {  	[tilespmem:s25], [sflag:$0x2] =	stream.indirect_vreg.gather [hbm4b:s6+s2], $0x80, v12, vm0, $0xb8;
	[tilespmem:$0x10300] =	vst v63  }
0x8f: {  	_ = 	snop  }
0x90: {  	[tilespmem:s26], [sflag:$0x2] =	stream.indirect_vreg.gather [hbm4b:s3+s2], $0x80, v11, vm0, $0xb8;
	[tilespmem:$0x10300] =	vst v63  }
0x91: {  	_ = 	snop  }
0x92: {  	[tilespmem:s28], [sflag:$0x2] =	stream.indirect_vreg.gather [hbm4b:s4+s2], $0x80, v11, vm0, $0xb8;
	[tilespmem:$0x10300] =	vst v63  }
0x93: {  	_ = 	snop  }
0x94: {  	[tilespmem:s29], [sflag:$0x2] =	stream.indirect_vreg.gather [hbm4b:s5+s2], $0x80, v11, vm0, $0xb8;
	[tilespmem:$0x10300] =	vst v63  }
0x95: {  	_ = 	snop  }
0x96: {  	[tilespmem:s30], [sflag:$0x2] =	stream.indirect_vreg.gather [hbm4b:s6+s2], $0x80, v11, vm0, $0xb8;
	[tilespmem:$0x10300] =	vst v63  }
0x97: {  	v11 =	vld [tilespmem:$0x90];
	_ =	sdelay $0x4  }
0x98: {  	v61 =	vshll.u32 v11, $0x3  }
0x99: {  	v11 =	vand.u32 $0x7, v11;
	v12 =	vand.u32 $0xFFFFFFC0, v61  }
0x9a: {  	v11 =	vor.u32 v11, v12  }
0x9b: {  	v12 =	vperm.xlane v11, v8;
	_ =	sdelay $0x1  }
0x9c: {  	v12 =	vadd.s32 v9, v12;
	_ =	sdelay $0x4  }
0x9d: {  	[tilespmem:s31], [sflag:$0x2] =	stream.indirect_vreg.gather [hbm4b:s3+s2], $0x80, v12, vm0, $0xb8;
	[tilespmem:$0x10300] =	vst v63  }
0x9e: {  	s22 =	simm.s32 $0x4B00;
	v11 =	vperm.xlane v11, v10  }
0x9f: {  	[tilespmem:s22], [sflag:$0x2] =	stream.indirect_vreg.gather [hbm4b:s4+s2], $0x80, v12, vm0, $0xb8;
	[tilespmem:$0x10300] =	vst v63  }
0xa0: {  	v11 =	vadd.s32 v9, v11;
	s22 =	simm.s32 $0x5300  }
0xa1: {  	[tilespmem:s22], [sflag:$0x2] =	stream.indirect_vreg.gather [hbm4b:s5+s2], $0x80, v12, vm0, $0xb8;
	[tilespmem:$0x10300] =	vst v63  }
0xa2: {  	_ = 	snop  }
0xa3: {  	[tilespmem:s11], [sflag:$0x2] =	stream.indirect_vreg.gather [hbm4b:s6+s2], $0x80, v12, vm0, $0xb8;
	[tilespmem:$0x10300] =	vst v63  }
0xa4: {  	_ = 	snop  }
0xa5: {  	[tilespmem:s12], [sflag:$0x2] =	stream.indirect_vreg.gather [hbm4b:s3+s2], $0x80, v11, vm0, $0xb8;
	[tilespmem:$0x10300] =	vst v63  }
0xa6: {  	_ = 	snop  }
0xa7: {  	[tilespmem:s13], [sflag:$0x2] =	stream.indirect_vreg.gather [hbm4b:s4+s2], $0x80, v11, vm0, $0xb8;
	[tilespmem:$0x10300] =	vst v63  }
0xa8: {  	_ = 	snop  }
0xa9: {  	[tilespmem:s14], [sflag:$0x2] =	stream.indirect_vreg.gather [hbm4b:s5+s2], $0x80, v11, vm0, $0xb8;
	[tilespmem:$0x10300] =	vst v63  }
0xaa: {  	_ = 	snop  }
0xab: {  	[tilespmem:s15], [sflag:$0x2] =	stream.indirect_vreg.gather [hbm4b:s6+s2], $0x80, v11, vm0, $0xb8;
	[tilespmem:$0x10300] =	vst v63  }
0xac: {  	v11 =	vld [tilespmem:$0xA0];
	_ =	sdelay $0x4  }
0xad: {  	v62 =	vshll.u32 v11, $0x3  }
0xae: {  	v11 =	vand.u32 $0x7, v11;
	v12 =	vand.u32 $0xFFFFFFC0, v62  }
0xaf: {  	v11 =	vor.u32 v11, v12  }
0xb0: {  	v12 =	vperm.xlane v11, v8;
	_ =	sdelay $0x1  }
0xb1: {  	v12 =	vadd.s32 v9, v12;
	_ =	sdelay $0x4  }
0xb2: {  	[tilespmem:s16], [sflag:$0x2] =	stream.indirect_vreg.gather [hbm4b:s3+s2], $0x80, v12, vm0, $0xb8;
	[tilespmem:$0x10300] =	vst v63  }
0xb3: {  	v11 =	vperm.xlane v11, v10  }
0xb4: {  	[tilespmem:s17], [sflag:$0x2] =	stream.indirect_vreg.gather [hbm4b:s4+s2], $0x80, v12, vm0, $0xb8;
	[tilespmem:$0x10300] =	vst v63  }
0xb5: {  	v11 =	vadd.s32 v9, v11  }
0xb6: {  	[tilespmem:s18], [sflag:$0x2] =	stream.indirect_vreg.gather [hbm4b:s5+s2], $0x80, v12, vm0, $0xb8;
	[tilespmem:$0x10300] =	vst v63  }
0xb7: {  	_ = 	snop  }
0xb8: {  	[tilespmem:s19], [sflag:$0x2] =	stream.indirect_vreg.gather [hbm4b:s6+s2], $0x80, v12, vm0, $0xb8;
	[tilespmem:$0x10300] =	vst v63  }
0xb9: {  	_ = 	snop  }
0xba: {  	[tilespmem:s20], [sflag:$0x2] =	stream.indirect_vreg.gather [hbm4b:s3+s2], $0x80, v11, vm0, $0xb8;
	[tilespmem:$0x10300] =	vst v63  }
0xbb: {  	_ = 	snop  }
0xbc: {  	[tilespmem:s21], [sflag:$0x2] =	stream.indirect_vreg.gather [hbm4b:s4+s2], $0x80, v11, vm0, $0xb8;
	[tilespmem:$0x10300] =	vst v63  }
0xbd: {  	_ = 	snop  }
0xbe: {  	[tilespmem:s10], [sflag:$0x2] =	stream.indirect_vreg.gather [hbm4b:s5+s2], $0x80, v11, vm0, $0xb8;
	[tilespmem:$0x10300] =	vst v63  }
0xbf: {  	s22 =	simm.s32 $0xBB00  }
0xc0: {  	[tilespmem:s22], [sflag:$0x2] =	stream.indirect_vreg.gather [hbm4b:s6+s2], $0x80, v11, vm0, $0xb8;
	[tilespmem:$0x10300] =	vst v63  }
0xc1: {  	v11 =	vld [tilespmem:$0xB0];
	_ =	sdelay $0x4  }
0xc2: {  	v63 =	vshll.u32 v11, $0x3  }
0xc3: {  	v11 =	vand.u32 $0x7, v11;
	v12 =	vand.u32 $0xFFFFFFC0, v63  }
0xc4: {  	v11 =	vor.u32 v11, v12  }
0xc5: {  	v12 =	vperm.xlane v11, v8;
	_ =	sdelay $0x1  }
0xc6: {  	v12 =	vadd.s32 v9, v12;
	_ =	sdelay $0x3  }
0xc7: {  	s22 =	simm.s32 $0xC300  }
0xc8: {  	[tilespmem:s22], [sflag:$0x2] =	stream.indirect_vreg.gather [hbm4b:s3+s2], $0x80, v12, vm0, $0xb8;
	[tilespmem:$0x10300] =	vst v63  }
0xc9: {  	v11 =	vperm.xlane v11, v10;
	s22 =	simm.s32 $0xCB00  }
0xca: {  	[tilespmem:s22], [sflag:$0x2] =	stream.indirect_vreg.gather [hbm4b:s4+s2], $0x80, v12, vm0, $0xb8;
	[tilespmem:$0x10300] =	vst v63  }
0xcb: {  	v11 =	vadd.s32 v9, v11;
	s22 =	simm.s32 $0xD300  }
0xcc: {  	[tilespmem:s22], [sflag:$0x2] =	stream.indirect_vreg.gather [hbm4b:s5+s2], $0x80, v12, vm0, $0xb8;
	[tilespmem:$0x10300] =	vst v63  }
0xcd: {  	s22 =	simm.s32 $0xDB00  }
0xce: {  	[tilespmem:s22], [sflag:$0x2] =	stream.indirect_vreg.gather [hbm4b:s6+s2], $0x80, v12, vm0, $0xb8;
	[tilespmem:$0x10300] =	vst v63  }
0xcf: {  	s22 =	simm.s32 $0xE300  }
0xd0: {  	[tilespmem:s22], [sflag:$0x2] =	stream.indirect_vreg.gather [hbm4b:s3+s2], $0x80, v11, vm0, $0xb8;
	[tilespmem:$0x10300] =	vst v63  }
0xd1: {  	s22 =	simm.s32 $0xEB00  }
0xd2: {  	[tilespmem:s22], [sflag:$0x2] =	stream.indirect_vreg.gather [hbm4b:s4+s2], $0x80, v11, vm0, $0xb8;
	[tilespmem:$0x10300] =	vst v63  }
0xd3: {  	s22 =	simm.s32 $0xF300  }
0xd4: {  	[tilespmem:s22], [sflag:$0x2] =	stream.indirect_vreg.gather [hbm4b:s5+s2], $0x80, v11, vm0, $0xb8;
	[tilespmem:$0x10300] =	vst v63  }
0xd5: {  	s0 =	simm.s32 $0x2;
	s22 =	simm.s32 $0xFB00  }
0xd6: {  	[tilespmem:s22], [sflag:$0x2] =	stream.indirect_vreg.gather [hbm4b:s6+s2], $0x80, v11, vm0, $0xb8;
	[tilespmem:$0x10300] =	vst v63  }
0xd7: {  	_ =	swait.ge [sflag:s0], $0x10000  }
0xd8: {  	p0 =	sne.s32 s7, $0x1;
	[sflag:s0] =	ssyncset.done $0x0  }
.Ltmp0:
0xd9: {  	s22 =	rddreg [dreg:$0x4];
	[sflag:s0] =	ssyncadd.s32 $0xFFFF0000;
	(pc) =	sbr.rel @p0 .LBB2_1-.Ltmp0, $4  }
0xda: {  	[hbm4b:s22+s2] =	stream.linear.scatter [tilespmem:s1], [sflag:$0x3], $0x10000, $0x38;
	[tilespmem:$0x10300] =	vst v63  }
0xdb: {  	_ =	swait.ge [sflag:s9], $0x10000  }
0xdc: {  	[sflag:s9] =	ssyncset.done $0x0  }
0xdd: {  	s7 =	sadd.s32 $0xFFFFFFFF, s7;
	[sflag:s9] =	ssyncadd.s32 $0xFFFF0000  }
0xde: {  	_ =	sfence.sel $0x180000  }
0xdf: {  	[bflag:$0x0] =	sbarrier.arrive $0xFFFF  }
0xe0: {  	_ =	strace $0x9000004A  }
0xe1: {  	s0 =	stileid.u32;
	[bflag:$0x2] =	sbarrier.arrive $0xFFFF  }
0xe2: {  	p0 =	sne.s32 s0, $0x0;
	s0 =	rddreg [dreg:$0x1]  }
0xe3: {  	s0 =	sadd.s32 @!p0 $0x100000, s0  }
0xe4: {  	[sflag:s0] =	ssyncadd.tile.s32 @!p0 $0x1;
	_ =	shalt  }
.Lfunc_end2:
_tile_overlayer_lowered:
.L_overlay_start_2:
0xe5: {  	(tag) =	ssettag $0x2  }
0xe6: {  	s0 =	rddreg [dreg:$0x0];
	s2 =	stileid.u32  }
0xe7: {  	s1 =	rddreg [dreg:$0x1];
	p0 =	sne.s32 s2, $0x0  }
0xe8: {  	s3 =	rddreg [dreg:$0x2];
	[bflag:$0x3] =	sbarrier.arrive $0xFFFF;
	s2 =	simm.s32 @!p0 $0x1C03  }
0xe9: {  	[timem:s3], [sflag:s2] =	dma.local @!p0 [hbm:s0], s1  }
0xea: {  	s0 =	simm.s32 @!p0 $0x3  }
0xeb: {  	_ =	swait.ge @!p0 [sflag:s0], s1  }
0xec: {  	s1 =	ssub.s32 @!p0 $0x0, s1;
	[sflag:s0] =	ssyncset.done @!p0 $0x0  }
0xed: {  	[sflag:s0] =	ssyncadd.s32 @!p0 s1  }
0xee: {  	[bflag:$0x3] =	sbarrier.arrive $0xFFFF  }
0xef: {  	_ =	shalt  }

// kernel: kernel.8.cloned.1.call-start
scs
__scs_entry_jumppad:
0x0: {  	(pc) =	sbr.rel $0x88, $3  }
0x1: {  	(tag) =	ssettag $0x0;
	lr =	simm.s32 $0x1  }
0x2: {  	[smem:$0x3F92] =	sst lr;
	_ =	strace $0xD0000000  }
0x3: {  	_ = 	snop  }
0x4: {  	_ = 	snop  }
0x5: {  	_ = 	snop  }
0x6: {  	_ = 	snop  }
0x7: {  	_ = 	snop  }
__scs_overlays_trampoline_lowered:
0x8: {  	[smem:$0x3FA1] =	sst s0  }
0x9: {  	[smem:$0x3FA2] =	sst s1  }
0xa: {  	[smem:$0x3FA3] =	sst s2  }
0xb: {  	[smem:$0x3FA4] =	sst s3  }
0xc: {  	[smem:$0x3FA5] =	sst s4  }
0xd: {  	[smem:$0x3FA6] =	sst s5  }
0xe: {  	[smem:$0x3FA7] =	sst s6  }
0xf: {  	[smem:$0x3FA8] =	sst s7  }
0x10: {  	[smem:$0x3FA9] =	sst s8  }
0x11: {  	[smem:$0x3FAA] =	sst s9;
	s0 =	simm.s32 @!p0 $0x0  }
0x12: {  	s1 =	sld [smem:$0x3F90];
	s0 =	simm.s32 @p0 $0x1  }
0x13: {  	[smem:$0x3FAB] =	sst s0;
	s0 =	simm.s32 @!p1 $0x0  }
0x14: {  	s2 =	sld [smem:$0x3F8F];
	s0 =	simm.s32 @p1 $0x1  }
0x15: {  	[smem:$0x3FAC] =	sst s0;
	s0 =	simm.s32 @!p2 $0x0  }
0x16: {  	s3 =	sld [smem:$0x3FDB];
	s0 =	simm.s32 @p2 $0x1  }
0x17: {  	s4 =	simm.s32 $0x1BF5;
	[smem:$0x3FAE] =	sst s0  }
0x18: {  	s0 =	sld [smem:$0x3F91];
	_ =	swait.ge [sflag:s4], $0x0  }
0x19: {  	s7 =	sld [smem:$0x3F92]  }
0x1a: {  	s8 =	sadd.s32 $0xFFFFE003, lr  }
0x1b: {  	s9 =	sadd.s32 $0xFFFFFEF7, lr;
	s5 =	simm.s32 $0xFFFFFFFF;
	p2 =	slt.u32 s8, $0xFFFFF086  }
0x1c: {  	p1 =	slt.u32 s9, $0xF7A;
	s5 =	simm.s32 @!p2 $0x0  }
0x1d: {  	s5 =	simm.s32 @p1 $0x1;
	p0 =	seq.s32 s7, s2  }
0x1e: {  	s7 =	smul.u32 @!p0 $0xF7A, s2;
	p2 =	seq.s32 @!p0 s5, $0x0  }
0x1f: {  	s9 =	smul.u32 $0xF7A, s1;
	s8 =	simm.s32 @!p0 $0x1BF5;
	p2 =	por !p2, p0  }
0x20: {  	[sflag:s8] =	ssyncset.s32 @!p0 $0xFFFFF086;
	s6 =	sadd.s32 @!p0 s3, s7;
	s7 =	simm.s32 @!p0 $0x108  }
0x21: {  	s3 =	sadd.s32 s3, s9;
	s6 =	sadd.s32 @!p0 $0x88, s6;
	s7 =	simm.s32 @p2 $0x1082  }
0x22: {  	[simem:s7], [sflag:s8] =	dma.local @!p0 [hbm:s6], $0xF7A  }
0x23: {  	s9 =	sor.u32 $0xD0000000, s2;
	s6 =	simm.s32 $0x108;
	_ =	swait.ge @!p0 [sflag:s8], $0x0  }
0x24: {  	s3 =	sadd.s32 $0x88, s3;
	s6 =	simm.s32 @!p1 $0x1082;
	[sflag:s4] =	ssyncset.s32 $0xFFFFF086  }
0x25: {  	[simem:s6], [sflag:s4] =	dma.local [hbm:s3], $0xF7A  }
0x26: {  	[smem:$0x3F92] =	sst s1;
	(tag) =	ssettag s2;
	_ =	strace s9  }
0x27: {  	s1 =	sld [smem:$0x3FA2]  }
0x28: {  	s2 =	sld [smem:$0x3FA3]  }
0x29: {  	s4 =	sld [smem:$0x3FA5]  }
0x2a: {  	p0 =	seq.s32 s5, $0x0;
	s5 =	sld [smem:$0x3FA6]  }
0x2b: {  	s6 =	sld [smem:$0x3FA7]  }
0x2c: {  	s7 =	sld [smem:$0x3FA8]  }
0x2d: {  	s3 =	simm.s32 $0x108;
	s8 =	sld [smem:$0x3FA9]  }
0x2e: {  	s3 =	simm.s32 @!p0 $0x1082;
	s9 =	sld [smem:$0x3FAA]  }
0x2f: {  	lr =	sadd.s32 s0, s3;
	s0 =	sld [smem:$0x3FA1]  }
0x30: {  	s3 =	sld [smem:$0x3FA4]  }
0x31: {  	[smem:$0x3FAD] =	sst s10  }
0x32: {  	s10 =	sld [smem:$0x3FAB];
	_ =	sdelay $0x3  }
0x33: {  	p0 =	seq.s32 s10, $0x1;
	s10 =	sld [smem:$0x3FAD];
	_ =	sdelay $0x3  }
0x34: {  	[smem:$0x3FAD] =	sst s10  }
0x35: {  	s10 =	sld [smem:$0x3FAC];
	_ =	sdelay $0x3  }
0x36: {  	p1 =	seq.s32 s10, $0x1;
	s10 =	sld [smem:$0x3FAD];
	_ =	sdelay $0x3  }
0x37: {  	[smem:$0x3FAD] =	sst s10  }
0x38: {  	s10 =	sld [smem:$0x3FAE]  }
0x39: {  	_ = 	snop;
	(pc) =	sbr.ind lr, $3  }
0x3a: {  	_ = 	snop  }
0x3b: {  	_ = 	snop  }
0x3c: {  	p2 =	seq.s32 s10, $0x1;
	s10 =	sld [smem:$0x3FAD]  }
0x3d: {  	_ =	shalt  }
0x3e: {  	_ =	shalt  }
0x3f: {  	_ =	shalt  }
0x40: {  	_ =	shalt  }
0x41: {  	_ =	shalt  }
0x42: {  	_ =	shalt  }
0x43: {  	_ =	shalt  }
0x44: {  	_ =	shalt  }
0x45: {  	_ =	shalt  }
0x46: {  	_ =	shalt  }
0x47: {  	_ =	shalt  }
0x48: {  	_ =	shalt  }
0x49: {  	_ =	shalt  }
0x4a: {  	_ =	shalt  }
0x4b: {  	_ =	shalt  }
0x4c: {  	_ =	shalt  }
0x4d: {  	_ =	shalt  }
0x4e: {  	_ =	shalt  }
0x4f: {  	_ =	shalt  }
0x50: {  	_ =	shalt  }
0x51: {  	_ =	shalt  }
0x52: {  	_ =	shalt  }
0x53: {  	_ =	shalt  }
0x54: {  	_ =	shalt  }
0x55: {  	_ =	shalt  }
0x56: {  	_ =	shalt  }
0x57: {  	_ =	shalt  }
0x58: {  	_ =	shalt  }
0x59: {  	_ =	shalt  }
0x5a: {  	_ =	shalt  }
0x5b: {  	_ =	shalt  }
0x5c: {  	_ =	shalt  }
0x5d: {  	_ =	shalt  }
0x5e: {  	_ =	shalt  }
0x5f: {  	_ =	shalt  }
0x60: {  	_ =	shalt  }
0x61: {  	_ =	shalt  }
0x62: {  	_ =	shalt  }
0x63: {  	_ =	shalt  }
0x64: {  	_ =	shalt  }
0x65: {  	_ =	shalt  }
0x66: {  	_ =	shalt  }
0x67: {  	_ =	shalt  }
0x68: {  	_ =	shalt  }
0x69: {  	_ =	shalt  }
0x6a: {  	_ =	shalt  }
0x6b: {  	_ =	shalt  }
0x6c: {  	_ =	shalt  }
0x6d: {  	_ =	shalt  }
0x6e: {  	_ =	shalt  }
0x6f: {  	_ =	shalt  }
0x70: {  	_ =	shalt  }
0x71: {  	_ =	shalt  }
0x72: {  	_ =	shalt  }
0x73: {  	_ =	shalt  }
0x74: {  	_ =	shalt  }
0x75: {  	_ =	shalt  }
0x76: {  	_ =	shalt  }
0x77: {  	_ =	shalt  }
0x78: {  	_ =	shalt  }
0x79: {  	_ =	shalt  }
0x7a: {  	_ =	shalt  }
0x7b: {  	_ =	shalt  }
0x7c: {  	_ =	shalt  }
0x7d: {  	_ =	shalt  }
0x7e: {  	_ =	shalt  }
0x7f: {  	_ =	shalt  }
0x80: {  	_ =	shalt  }
0x81: {  	_ =	shalt  }
0x82: {  	_ =	shalt  }
0x83: {  	_ =	shalt  }
0x84: {  	_ =	shalt  }
0x85: {  	_ =	shalt  }
0x86: {  	_ =	shalt  }
0x87: {  	_ =	shalt  }
.Lfunc_end0:
.L_simem_size_0:
called_computation_lowered:
.L_overlay_start_0:
0x88: {  	s2 =	sld [smem:$0x3FD9]  }
0x89: {  	s3 =	sld [smem:$0x3FFE];
	_ =	sdelay $0x1  }
0x8a: {  	s1 =	srdreg.scid  }
0x8b: {  	s0 =	sand.u32 $0x1, s1  }
0x8c: {  	s17 =	sshll.u32 s0, $0xA;
	s2 =	sadd.s32 s3, s2  }
0x8d: {  	s2 =	sadd.s32 s2, s17  }
0x8e: {  	[smem:$0x3FB9] =	sst s2  }
0x8f: {  	_ = 	snop  }
0x90: {  	s2 =	sld [smem:$0x3FC9];
	(tm) =	ssettm $0x1  }
0x91: {  	s18 =	sld [smem:$0x3FFB];
	_ =	sdelay $0x3  }
0x92: {  	_ =	strace s18  }
0x93: {  	s3 =	sld [smem:$0x3FFC];
	_ =	sdelay $0x3  }
0x94: {  	_ =	strace s3  }
0x95: {  	s3 =	sld [smem:$0x3FFD];
	_ =	sdelay $0x3  }
0x96: {  	_ =	strace s3  }
0x97: {  	_ =	strace $0x8FFFFFFF  }
0x98: {  	s19 =	sld [smem:$0x3FDB];
	_ =	sdelay $0x1  }
0x99: {  	s4 =	simm.s32 $_scs_section_size  }
0x9a: {  	s5 =	simm.s32 $_size__tile_overlayer_lowered;
	s6 =	simm.s32 $_tile_overlayer_lowered  }
0x9b: {  	s22 =	simm.s32 $0x1BFF;
	s21 =	sshll.u32 s6, $0x1;
	s3 =	sadd.s32 s4, s19  }
0x9c: {  	s7 =	simm.s32 $0x0;
	s20 =	sshll.u32 s5, $0x1;
	s5 =	sadd.s32 s21, s3  }
0x9d: {  	[timem:s7], [sflag:s22] =	dma.local [hbm:s5], s20  }
0x9e: {  	_ =	swait.ge [sflag:s22], s20  }
0x9f: {  	s4 =	ssub.s32 $0x0, s20;
	[sflag:s22] =	ssyncset.done $0x0  }
0xa0: {  	[sflag:s22] =	ssyncadd.s32 s4;
	_ =	sdelay $0x1  }
0xa1: {  	s23 =	simm.s32 $0x1B8B  }
0xa2: {  	_ =	swait.ge [sflag:s23], $0x1  }
0xa3: {  	[sflag:s23] =	ssyncset.done $0x0  }
0xa4: {  	s25 =	simm.s32 $0x1B8E;
	s24 =	sld [smem:$0x3FFE];
	[sflag:s23] =	ssyncadd.s32 $0xFFFFFFFF  }
0xa5: {  	s26 =	simm.s32 $execute0_lowered;
	[smem:$0x3FD2] =	sst s25  }
0xa6: {  	s5 =	sshll.u32 s26, $0x1;
	_ =	strace $0x80000046;
	[dreg:$0x1] =	wrdreg $0xFFFFFFFF  }
0xa7: {  	s28 =	simm.s32 $_size_execute0_lowered;
	s3 =	sadd.s32 s3, s5;
	[dreg:$0x0] =	wrdreg $0x0  }
0xa8: {  	s5 =	sshll.u32 s28, $0x1;
	[dreg:$0x2] =	wrdreg s3  }
0xa9: {  	[dreg:$0x3] =	wrdreg s5  }
0xaa: {  	[dreg:$0x4] =	wrdreg $0xC0  }
0xab: {  	_ =	task [dreg:s7], $0x5FFFF  }
0xac: {  	[dreg:$0x1] =	wrdreg $0xFFFFFFFF  }
0xad: {  	[dreg:$0x0] =	wrdreg $0x60  }
0xae: {  	[dreg:$0x2] =	wrdreg s2  }
0xaf: {  	[dreg:$0x3] =	wrdreg s24  }
0xb0: {  	[dreg:$0x4] =	wrdreg $0x9  }
0xb1: {  	_ =	task.clear_ibuf [dreg:s7], $0x5FFFF;
	_ =	strace $0x90000046  }
0xb2: {  	s29 =	simm.s32 $0x9;
	_ =	strace $0x80000048  }
0xb3: {  	_ =	swait.ge [sflag:s29], $0x1  }
0xb4: {  	[sflag:s29] =	ssyncadd.s32 $0xFFFFFFFF  }
0xb5: {  	_ =	strace $0x90000048  }
0xb6: {  	_ =	sfence  }
0xb7: {  	s30 =	sld [smem:$0x0];
	_ =	sdelay $0x2  }
0xb8: {  	s31 =	sshll.u32 s1, $0xD;
	s1 =	sshrl.u32 s1, $0x2  }
0xb9: {  	s3 =	sand.u32 $0x4000, s31;
	s1 =	sadd.s32 s1, s30  }
0xba: {  	s0 =	sor.u32 s3, s0;
	s1 =	sshll.u32 s1, $0x11  }
0xbb: {  	s0 =	sor.u32 s1, s0  }
0xbc: {  	s0 =	sadd.s32 $0x8F2B, s0  }
0xbd: {  	[sflag:s0] =	ssyncadd.remote.s32 $0x1  }
0xbe: {  	_ =	sfence.sel $0xFFFF  }
0xbf: {  	[dreg:$0x0] =	wrdreg $0xFFFFFFFF;
	(pc) =	sbr.abs _section_cstart, $3  }
0xc0: {  	[dreg:$0x1] =	wrdreg $0xFFFFFFFF  }
0xc1: {  	_ =	task.clear_ibuf [dreg:s7], $0x2FFFF;
	_ =	strace $0x9FFFFFFF  }
0xc2: {  	(tm) =	ssettm $0x7FFFFFFF  }
0xc3: {  	_ =	shalt  }
tec
execute0_lowered:
.L_overlay_start_1:
0x0: {  	(tag) =	ssettag $0x1  }
0x1: {  	s0 =	srdreg.scid;
	s1 =	rddreg [dreg:$0x0]  }
0x2: {  	s6 =	rddreg [dreg:$0x1];
	s4 =	stileid.u32;
	s2 =	simm.s32 $0x0  }
0x3: {  	s10 =	simm.s32 $0x100;
	s23 =	simm.s32 $0x1300;
	s24 =	simm.s32 $0x1B00  }
0x4: {  	s28 =	simm.s32 $0x3300;
	s29 =	simm.s32 $0x3B00;
	s30 =	simm.s32 $0x4300  }
0x5: {  	s31 =	simm.s32 $0x4B00;
	s11 =	simm.s32 $0x6300;
	s12 =	simm.s32 $0x6B00  }
0x6: {  	s13 =	simm.s32 $0x7300;
	s14 =	simm.s32 $0x7B00;
	s15 =	simm.s32 $0x8300  }
0x7: {  	s16 =	simm.s32 $0x8B00;
	s17 =	simm.s32 $0x9300;
	s18 =	simm.s32 $0x9B00  }
0x8: {  	s19 =	simm.s32 $0xA300;
	s8 =	simm.s32 $0xAB00;
	s21 =	simm.s32 $0xB300  }
0x9: {  	s9 =	simm.s32 $0xBB00;
	s20 =	simm.s32 $0xC300;
	s0 =	sand.u32 $0x1, s0  }
0xa: {  	[smem:$0x7FF] =	sst s2;
	s3 =	sshll.u32 s0, $0x4;
	s0 =	ssub.s32 $0x2, s0  }
0xb: {  	v10 =	vlaneseq.u32;
	_ =	strace $0x80000047;
	s3 =	sor.u32 s4, s3;
	s25 =	sshrl.u32 s0, $0x1  }
0xc: {  	v0 =	vmul.u32 $0x8, v10;
	s4 =	sshll.u32 s3, $0x6;
	s5 =	sshll.u32 s3, $0xD;
	s3 =	sadd.s32 $0x1C00, s6  }
0xd: {  	vm0 =	vmmov $0xffff;
	v9 =	vshrl.u32 v10, $0x3;
	v8 =	vand.u32 $0x7, v10;
	s0 =	ssub.s32 s0, s25;
	s25 =	simm.s32 $0x2300;
	s4 =	sadd.s32 s4, s6  }
0xe: {  	v10 =	vor.u32 $0x8, v10;
	v9 =	vmul.u32 $0x8, v9;
	v1 =	vor.u32 $0x1, v0;
	s1 =	sadd.s32 s1, s5;
	s5 =	sadd.s32 $0x1E00, s6;
	s7 =	smax.u32 s0, $0x1  }
0xf: {  	v2 =	vor.u32 $0x80, v0;
	v3 =	vor.u32 $0x81, v0;
	v4 =	vor.u32 $0x100, v0;
	[dreg:$0x3] =	wrdreg s1;
	s26 =	sadd.s32 $0x1400, s4;
	s4 =	sadd.s32 $0x1D00, s6  }
0x10: {  	v5 =	vor.u32 $0x101, v0;
	v6 =	vor.u32 $0x180, v0;
	v7 =	vor.u32 $0x181, v0;
	s6 =	sadd.s32 $0x1F00, s6;
	[dreg:$0x4] =	wrdreg s26;
	s26 =	simm.s32 $0x2B00  }
.LBB2_1:
0x11: {  	s22 =	rddreg [dreg:$0x3];
	s0 =	simm.s32 $0x300  }
0x12: {  	[tilespmem:s0], [sflag:$0x3] =	stream.linear.gather [hbm4b:s22+s2], $0x10000, $0x38;
	[tilespmem:$0x10300] =	vst v63  }
0x13: {  	s0 =	simm.s32 $0x3  }
0x14: {  	_ =	swait.ge [sflag:s0], $0x10000  }
0x15: {  	[sflag:s0] =	ssyncset.done $0x0  }
0x16: {  	s22 =	rddreg [dreg:$0x4];
	[sflag:s0] =	ssyncadd.s32 $0xFFFF0000  }
0x17: {  	[tilespmem:s10], [sflag:$0x3] =	stream.linear.gather [hbm4b:s22+s2], $0x200, $0x38;
	[tilespmem:$0x10300] =	vst v63  }
0x18: {  	_ =	swait.ge [sflag:s0], $0x200  }
0x19: {  	[sflag:s0] =	ssyncset.done $0x0  }
0x1a: {  	[sflag:s0] =	ssyncadd.s32 $0xFFFFFE00  }
0x1b: {  	v11 =	vld.idx.msk [tilespmem:v0+s10+$0x0], $0xffff;
	_ =	sdelay $0x4  }
0x1c: {  	[tilespmem:$0x0] =	vst v11  }
0x1d: {  	v11 =	vld.idx.msk [tilespmem:v1+s10+$0x0], $0xffff;
	_ =	sdelay $0x4  }
0x1e: {  	[tilespmem:$0x80] =	vst v11  }
0x1f: {  	v11 =	vld.idx.msk [tilespmem:v2+s10+$0x0], $0xffff;
	_ =	sdelay $0x4  }
0x20: {  	[tilespmem:$0x10] =	vst v11  }
0x21: {  	v11 =	vld.idx.msk [tilespmem:v3+s10+$0x0], $0xffff;
	_ =	sdelay $0x4  }
0x22: {  	[tilespmem:$0x90] =	vst v11  }
0x23: {  	v11 =	vld.idx.msk [tilespmem:v4+s10+$0x0], $0xffff;
	_ =	sdelay $0x4  }
0x24: {  	[tilespmem:$0x20] =	vst v11  }
0x25: {  	v11 =	vld.idx.msk [tilespmem:v5+s10+$0x0], $0xffff;
	_ =	sdelay $0x2  }
0x26: {  	v12 =	vld [tilespmem:$0x0];
	_ =	sdelay $0x1  }
0x27: {  	[tilespmem:$0xA0] =	vst v11  }
0x28: {  	v11 =	vld.idx.msk [tilespmem:v6+s10+$0x0], $0xffff;
	_ =	sdelay $0x1  }
0x29: {  	v13 =	vshll.u32 v12, $0x3  }
0x2a: {  	v12 =	vand.u32 $0x7, v12;
	v13 =	vand.u32 $0xFFFFFFC0, v13  }
0x2b: {  	v12 =	vor.u32 v12, v13  }
0x2c: {  	[tilespmem:$0x30] =	vst v11;
	v11 =	vperm.xlane v12, v8  }
0x2d: {  	v56 =	vld.idx.msk [tilespmem:v7+s10+$0x0], $0xffff  }
0x2e: {  	v11 =	vadd.s32 v9, v11;
	_ =	sdelay $0x3  }
0x2f: {  	s1 =	simm.s32 $0x300;
	[tilespmem:$0xB0] =	vst v56  }
0x30: {  	[hbm4b:s3+s2] =	stream.indirect_vreg.scatter [tilespmem:s1], [sflag:$0x1], $0x80, v11, vm0, $0xb8;
	[tilespmem:$0x10300] =	vst v63  }
0x31: {  	s22 =	simm.s32 $0xB00;
	v12 =	vperm.xlane v12, v10  }
0x32: {  	[hbm4b:s4+s2] =	stream.indirect_vreg.scatter [tilespmem:s22], [sflag:$0x1], $0x80, v11, vm0, $0xb8;
	[tilespmem:$0x10300] =	vst v63  }
0x33: {  	v12 =	vadd.s32 v9, v12  }
0x34: {  	[hbm4b:s5+s2] =	stream.indirect_vreg.scatter [tilespmem:s23], [sflag:$0x1], $0x80, v11, vm0, $0xb8;
	[tilespmem:$0x10300] =	vst v63  }
0x35: {  	_ = 	snop  }
0x36: {  	[hbm4b:s6+s2] =	stream.indirect_vreg.scatter [tilespmem:s24], [sflag:$0x1], $0x80, v11, vm0, $0xb8;
	[tilespmem:$0x10300] =	vst v63  }
0x37: {  	_ = 	snop  }
0x38: {  	[hbm4b:s3+s2] =	stream.indirect_vreg.scatter [tilespmem:s25], [sflag:$0x1], $0x80, v12, vm0, $0xb8;
	[tilespmem:$0x10300] =	vst v63  }
0x39: {  	_ = 	snop  }
0x3a: {  	[hbm4b:s4+s2] =	stream.indirect_vreg.scatter [tilespmem:s26], [sflag:$0x1], $0x80, v12, vm0, $0xb8;
	[tilespmem:$0x10300] =	vst v63  }
0x3b: {  	_ = 	snop  }
0x3c: {  	[hbm4b:s5+s2] =	stream.indirect_vreg.scatter [tilespmem:s28], [sflag:$0x1], $0x80, v12, vm0, $0xb8;
	[tilespmem:$0x10300] =	vst v63  }
0x3d: {  	_ = 	snop  }
0x3e: {  	[hbm4b:s6+s2] =	stream.indirect_vreg.scatter [tilespmem:s29], [sflag:$0x1], $0x80, v12, vm0, $0xb8;
	[tilespmem:$0x10300] =	vst v63  }
0x3f: {  	v11 =	vld [tilespmem:$0x10];
	_ =	sdelay $0x4  }
0x40: {  	v57 =	vshll.u32 v11, $0x3  }
0x41: {  	v11 =	vand.u32 $0x7, v11;
	v12 =	vand.u32 $0xFFFFFFC0, v57  }
0x42: {  	v11 =	vor.u32 v11, v12  }
0x43: {  	v12 =	vperm.xlane v11, v8;
	_ =	sdelay $0x1  }
0x44: {  	v12 =	vadd.s32 v9, v12;
	_ =	sdelay $0x4  }
0x45: {  	[hbm4b:s3+s2] =	stream.indirect_vreg.scatter [tilespmem:s30], [sflag:$0x1], $0x80, v12, vm0, $0xb8;
	[tilespmem:$0x10300] =	vst v63  }
0x46: {  	v11 =	vperm.xlane v11, v10  }
0x47: {  	[hbm4b:s4+s2] =	stream.indirect_vreg.scatter [tilespmem:s31], [sflag:$0x1], $0x80, v12, vm0, $0xb8;
	[tilespmem:$0x10300] =	vst v63  }
0x48: {  	s1 =	simm.s32 $0x5300;
	v11 =	vadd.s32 v9, v11  }
0x49: {  	[hbm4b:s5+s2] =	stream.indirect_vreg.scatter [tilespmem:s1], [sflag:$0x1], $0x80, v12, vm0, $0xb8;
	[tilespmem:$0x10300] =	vst v63  }
0x4a: {  	s1 =	simm.s32 $0x5B00  }
0x4b: {  	[hbm4b:s6+s2] =	stream.indirect_vreg.scatter [tilespmem:s1], [sflag:$0x1], $0x80, v12, vm0, $0xb8;
	[tilespmem:$0x10300] =	vst v63  }
0x4c: {  	_ = 	snop  }
0x4d: {  	[hbm4b:s3+s2] =	stream.indirect_vreg.scatter [tilespmem:s11], [sflag:$0x1], $0x80, v11, vm0, $0xb8;
	[tilespmem:$0x10300] =	vst v63  }
0x4e: {  	_ = 	snop  }
0x4f: {  	[hbm4b:s4+s2] =	stream.indirect_vreg.scatter [tilespmem:s12], [sflag:$0x1], $0x80, v11, vm0, $0xb8;
	[tilespmem:$0x10300] =	vst v63  }
0x50: {  	_ = 	snop  }
0x51: {  	[hbm4b:s5+s2] =	stream.indirect_vreg.scatter [tilespmem:s13], [sflag:$0x1], $0x80, v11, vm0, $0xb8;
	[tilespmem:$0x10300] =	vst v63  }
0x52: {  	_ = 	snop  }
0x53: {  	[hbm4b:s6+s2] =	stream.indirect_vreg.scatter [tilespmem:s14], [sflag:$0x1], $0x80, v11, vm0, $0xb8;
	[tilespmem:$0x10300] =	vst v63  }
0x54: {  	v11 =	vld [tilespmem:$0x20];
	_ =	sdelay $0x4  }
0x55: {  	v58 =	vshll.u32 v11, $0x3  }
0x56: {  	v11 =	vand.u32 $0x7, v11;
	v12 =	vand.u32 $0xFFFFFFC0, v58  }
0x57: {  	v11 =	vor.u32 v11, v12  }
0x58: {  	v12 =	vperm.xlane v11, v8;
	_ =	sdelay $0x1  }
0x59: {  	v12 =	vadd.s32 v9, v12;
	_ =	sdelay $0x4  }
0x5a: {  	[hbm4b:s3+s2] =	stream.indirect_vreg.scatter [tilespmem:s15], [sflag:$0x1], $0x80, v12, vm0, $0xb8;
	[tilespmem:$0x10300] =	vst v63  }
0x5b: {  	v11 =	vperm.xlane v11, v10  }
0x5c: {  	[hbm4b:s4+s2] =	stream.indirect_vreg.scatter [tilespmem:s16], [sflag:$0x1], $0x80, v12, vm0, $0xb8;
	[tilespmem:$0x10300] =	vst v63  }
0x5d: {  	v11 =	vadd.s32 v9, v11  }
0x5e: {  	[hbm4b:s5+s2] =	stream.indirect_vreg.scatter [tilespmem:s17], [sflag:$0x1], $0x80, v12, vm0, $0xb8;
	[tilespmem:$0x10300] =	vst v63  }
0x5f: {  	_ = 	snop  }
0x60: {  	[hbm4b:s6+s2] =	stream.indirect_vreg.scatter [tilespmem:s18], [sflag:$0x1], $0x80, v12, vm0, $0xb8;
	[tilespmem:$0x10300] =	vst v63  }
0x61: {  	_ = 	snop  }
0x62: {  	[hbm4b:s3+s2] =	stream.indirect_vreg.scatter [tilespmem:s19], [sflag:$0x1], $0x80, v11, vm0, $0xb8;
	[tilespmem:$0x10300] =	vst v63  }
0x63: {  	_ = 	snop  }
0x64: {  	[hbm4b:s4+s2] =	stream.indirect_vreg.scatter [tilespmem:s8], [sflag:$0x1], $0x80, v11, vm0, $0xb8;
	[tilespmem:$0x10300] =	vst v63  }
0x65: {  	_ = 	snop  }
0x66: {  	[hbm4b:s5+s2] =	stream.indirect_vreg.scatter [tilespmem:s21], [sflag:$0x1], $0x80, v11, vm0, $0xb8;
	[tilespmem:$0x10300] =	vst v63  }
0x67: {  	_ = 	snop  }
0x68: {  	[hbm4b:s6+s2] =	stream.indirect_vreg.scatter [tilespmem:s9], [sflag:$0x1], $0x80, v11, vm0, $0xb8;
	[tilespmem:$0x10300] =	vst v63  }
0x69: {  	v11 =	vld [tilespmem:$0x30];
	_ =	sdelay $0x4  }
0x6a: {  	v59 =	vshll.u32 v11, $0x3  }
0x6b: {  	v11 =	vand.u32 $0x7, v11;
	v12 =	vand.u32 $0xFFFFFFC0, v59  }
0x6c: {  	v11 =	vor.u32 v11, v12  }
0x6d: {  	v12 =	vperm.xlane v11, v8;
	_ =	sdelay $0x1  }
0x6e: {  	v12 =	vadd.s32 v9, v12;
	_ =	sdelay $0x4  }
0x6f: {  	[hbm4b:s3+s2] =	stream.indirect_vreg.scatter [tilespmem:s20], [sflag:$0x1], $0x80, v12, vm0, $0xb8;
	[tilespmem:$0x10300] =	vst v63  }
0x70: {  	s0 =	simm.s32 $0xCB00;
	v11 =	vperm.xlane v11, v10  }
0x71: {  	[hbm4b:s4+s2] =	stream.indirect_vreg.scatter [tilespmem:s0], [sflag:$0x1], $0x80, v12, vm0, $0xb8;
	[tilespmem:$0x10300] =	vst v63  }
0x72: {  	v11 =	vadd.s32 v9, v11;
	s0 =	simm.s32 $0xD300  }
0x73: {  	[hbm4b:s5+s2] =	stream.indirect_vreg.scatter [tilespmem:s0], [sflag:$0x1], $0x80, v12, vm0, $0xb8;
	[tilespmem:$0x10300] =	vst v63  }
0x74: {  	s0 =	simm.s32 $0xDB00  }
0x75: {  	[hbm4b:s6+s2] =	stream.indirect_vreg.scatter [tilespmem:s0], [sflag:$0x1], $0x80, v12, vm0, $0xb8;
	[tilespmem:$0x10300] =	vst v63  }
0x76: {  	s0 =	simm.s32 $0xE300  }
0x77: {  	[hbm4b:s3+s2] =	stream.indirect_vreg.scatter [tilespmem:s0], [sflag:$0x1], $0x80, v11, vm0, $0xb8;
	[tilespmem:$0x10300] =	vst v63  }
0x78: {  	s0 =	simm.s32 $0xEB00  }
0x79: {  	[hbm4b:s4+s2] =	stream.indirect_vreg.scatter [tilespmem:s0], [sflag:$0x1], $0x80, v11, vm0, $0xb8;
	[tilespmem:$0x10300] =	vst v63  }
0x7a: {  	s0 =	simm.s32 $0xF300  }
0x7b: {  	[hbm4b:s5+s2] =	stream.indirect_vreg.scatter [tilespmem:s0], [sflag:$0x1], $0x80, v11, vm0, $0xb8;
	[tilespmem:$0x10300] =	vst v63  }
0x7c: {  	s0 =	simm.s32 $0xFB00  }
0x7d: {  	[hbm4b:s6+s2] =	stream.indirect_vreg.scatter [tilespmem:s0], [sflag:$0x1], $0x80, v11, vm0, $0xb8;
	[tilespmem:$0x10300] =	vst v63  }
0x7e: {  	v11 =	vld [tilespmem:$0x80];
	_ =	sdelay $0x4  }
0x7f: {  	v60 =	vshll.u32 v11, $0x3  }
0x80: {  	v11 =	vand.u32 $0x7, v11;
	v12 =	vand.u32 $0xFFFFFFC0, v60  }
0x81: {  	v11 =	vor.u32 v11, v12  }
0x82: {  	v12 =	vperm.xlane v11, v8;
	_ =	sdelay $0x1  }
0x83: {  	v12 =	vadd.s32 v9, v12;
	_ =	sdelay $0x3  }
0x84: {  	s0 =	simm.s32 $0x300  }
0x85: {  	[hbm4b:s3+s2] =	stream.indirect_vreg.scatter [tilespmem:s0], [sflag:$0x2], $0x80, v12, vm0, $0xb8;
	[tilespmem:$0x10300] =	vst v63  }
0x86: {  	v11 =	vperm.xlane v11, v10  }
0x87: {  	[hbm4b:s4+s2] =	stream.indirect_vreg.scatter [tilespmem:s22], [sflag:$0x2], $0x80, v12, vm0, $0xb8;
	[tilespmem:$0x10300] =	vst v63  }
0x88: {  	v11 =	vadd.s32 v9, v11  }
0x89: {  	[hbm4b:s5+s2] =	stream.indirect_vreg.scatter [tilespmem:s23], [sflag:$0x2], $0x80, v12, vm0, $0xb8;
	[tilespmem:$0x10300] =	vst v63  }
0x8a: {  	_ = 	snop  }
0x8b: {  	[hbm4b:s6+s2] =	stream.indirect_vreg.scatter [tilespmem:s24], [sflag:$0x2], $0x80, v12, vm0, $0xb8;
	[tilespmem:$0x10300] =	vst v63  }
0x8c: {  	_ = 	snop  }
0x8d: {  	[hbm4b:s3+s2] =	stream.indirect_vreg.scatter [tilespmem:s25], [sflag:$0x2], $0x80, v11, vm0, $0xb8;
	[tilespmem:$0x10300] =	vst v63  }
0x8e: {  	_ = 	snop  }
0x8f: {  	[hbm4b:s4+s2] =	stream.indirect_vreg.scatter [tilespmem:s26], [sflag:$0x2], $0x80, v11, vm0, $0xb8;
	[tilespmem:$0x10300] =	vst v63  }
0x90: {  	_ = 	snop  }
0x91: {  	[hbm4b:s5+s2] =	stream.indirect_vreg.scatter [tilespmem:s28], [sflag:$0x2], $0x80, v11, vm0, $0xb8;
	[tilespmem:$0x10300] =	vst v63  }
0x92: {  	_ = 	snop  }
0x93: {  	[hbm4b:s6+s2] =	stream.indirect_vreg.scatter [tilespmem:s29], [sflag:$0x2], $0x80, v11, vm0, $0xb8;
	[tilespmem:$0x10300] =	vst v63  }
0x94: {  	v11 =	vld [tilespmem:$0x90];
	_ =	sdelay $0x4  }
0x95: {  	v61 =	vshll.u32 v11, $0x3  }
0x96: {  	v11 =	vand.u32 $0x7, v11;
	v12 =	vand.u32 $0xFFFFFFC0, v61  }
0x97: {  	v11 =	vor.u32 v11, v12  }
0x98: {  	v12 =	vperm.xlane v11, v8;
	_ =	sdelay $0x1  }
0x99: {  	v12 =	vadd.s32 v9, v12;
	_ =	sdelay $0x4  }
0x9a: {  	[hbm4b:s3+s2] =	stream.indirect_vreg.scatter [tilespmem:s30], [sflag:$0x2], $0x80, v12, vm0, $0xb8;
	[tilespmem:$0x10300] =	vst v63  }
0x9b: {  	v11 =	vperm.xlane v11, v10  }
0x9c: {  	[hbm4b:s4+s2] =	stream.indirect_vreg.scatter [tilespmem:s31], [sflag:$0x2], $0x80, v12, vm0, $0xb8;
	[tilespmem:$0x10300] =	vst v63  }
0x9d: {  	s22 =	simm.s32 $0x5300;
	v11 =	vadd.s32 v9, v11  }
0x9e: {  	[hbm4b:s5+s2] =	stream.indirect_vreg.scatter [tilespmem:s22], [sflag:$0x2], $0x80, v12, vm0, $0xb8;
	[tilespmem:$0x10300] =	vst v63  }
0x9f: {  	_ = 	snop  }
0xa0: {  	[hbm4b:s6+s2] =	stream.indirect_vreg.scatter [tilespmem:s1], [sflag:$0x2], $0x80, v12, vm0, $0xb8;
	[tilespmem:$0x10300] =	vst v63  }
0xa1: {  	_ = 	snop  }
0xa2: {  	[hbm4b:s3+s2] =	stream.indirect_vreg.scatter [tilespmem:s11], [sflag:$0x2], $0x80, v11, vm0, $0xb8;
	[tilespmem:$0x10300] =	vst v63  }
0xa3: {  	_ = 	snop  }
0xa4: {  	[hbm4b:s4+s2] =	stream.indirect_vreg.scatter [tilespmem:s12], [sflag:$0x2], $0x80, v11, vm0, $0xb8;
	[tilespmem:$0x10300] =	vst v63  }
0xa5: {  	_ = 	snop  }
0xa6: {  	[hbm4b:s5+s2] =	stream.indirect_vreg.scatter [tilespmem:s13], [sflag:$0x2], $0x80, v11, vm0, $0xb8;
	[tilespmem:$0x10300] =	vst v63  }
0xa7: {  	_ = 	snop  }
0xa8: {  	[hbm4b:s6+s2] =	stream.indirect_vreg.scatter [tilespmem:s14], [sflag:$0x2], $0x80, v11, vm0, $0xb8;
	[tilespmem:$0x10300] =	vst v63  }
0xa9: {  	v11 =	vld [tilespmem:$0xA0];
	_ =	sdelay $0x4  }
0xaa: {  	v62 =	vshll.u32 v11, $0x3  }
0xab: {  	v11 =	vand.u32 $0x7, v11;
	v12 =	vand.u32 $0xFFFFFFC0, v62  }
0xac: {  	v11 =	vor.u32 v11, v12  }
0xad: {  	v12 =	vperm.xlane v11, v8;
	_ =	sdelay $0x1  }
0xae: {  	v12 =	vadd.s32 v9, v12;
	_ =	sdelay $0x4  }
0xaf: {  	[hbm4b:s3+s2] =	stream.indirect_vreg.scatter [tilespmem:s15], [sflag:$0x2], $0x80, v12, vm0, $0xb8;
	[tilespmem:$0x10300] =	vst v63  }
0xb0: {  	v11 =	vperm.xlane v11, v10  }
0xb1: {  	[hbm4b:s4+s2] =	stream.indirect_vreg.scatter [tilespmem:s16], [sflag:$0x2], $0x80, v12, vm0, $0xb8;
	[tilespmem:$0x10300] =	vst v63  }
0xb2: {  	v11 =	vadd.s32 v9, v11  }
0xb3: {  	[hbm4b:s5+s2] =	stream.indirect_vreg.scatter [tilespmem:s17], [sflag:$0x2], $0x80, v12, vm0, $0xb8;
	[tilespmem:$0x10300] =	vst v63  }
0xb4: {  	_ = 	snop  }
0xb5: {  	[hbm4b:s6+s2] =	stream.indirect_vreg.scatter [tilespmem:s18], [sflag:$0x2], $0x80, v12, vm0, $0xb8;
	[tilespmem:$0x10300] =	vst v63  }
0xb6: {  	_ = 	snop  }
0xb7: {  	[hbm4b:s3+s2] =	stream.indirect_vreg.scatter [tilespmem:s19], [sflag:$0x2], $0x80, v11, vm0, $0xb8;
	[tilespmem:$0x10300] =	vst v63  }
0xb8: {  	_ = 	snop  }
0xb9: {  	[hbm4b:s4+s2] =	stream.indirect_vreg.scatter [tilespmem:s8], [sflag:$0x2], $0x80, v11, vm0, $0xb8;
	[tilespmem:$0x10300] =	vst v63  }
0xba: {  	_ = 	snop  }
0xbb: {  	[hbm4b:s5+s2] =	stream.indirect_vreg.scatter [tilespmem:s21], [sflag:$0x2], $0x80, v11, vm0, $0xb8;
	[tilespmem:$0x10300] =	vst v63  }
0xbc: {  	_ = 	snop  }
0xbd: {  	[hbm4b:s6+s2] =	stream.indirect_vreg.scatter [tilespmem:s9], [sflag:$0x2], $0x80, v11, vm0, $0xb8;
	[tilespmem:$0x10300] =	vst v63  }
0xbe: {  	v11 =	vld [tilespmem:$0xB0];
	_ =	sdelay $0x4  }
0xbf: {  	v63 =	vshll.u32 v11, $0x3  }
0xc0: {  	v11 =	vand.u32 $0x7, v11;
	v12 =	vand.u32 $0xFFFFFFC0, v63  }
0xc1: {  	v11 =	vor.u32 v11, v12  }
0xc2: {  	v12 =	vperm.xlane v11, v8;
	_ =	sdelay $0x1  }
0xc3: {  	v12 =	vadd.s32 v9, v12;
	_ =	sdelay $0x4  }
0xc4: {  	[hbm4b:s3+s2] =	stream.indirect_vreg.scatter [tilespmem:s20], [sflag:$0x2], $0x80, v12, vm0, $0xb8;
	[tilespmem:$0x10300] =	vst v63  }
0xc5: {  	s22 =	simm.s32 $0xCB00;
	v11 =	vperm.xlane v11, v10  }
0xc6: {  	[hbm4b:s4+s2] =	stream.indirect_vreg.scatter [tilespmem:s22], [sflag:$0x2], $0x80, v12, vm0, $0xb8;
	[tilespmem:$0x10300] =	vst v63  }
0xc7: {  	s1 =	simm.s32 $0xD300;
	v11 =	vadd.s32 v9, v11  }
0xc8: {  	[hbm4b:s5+s2] =	stream.indirect_vreg.scatter [tilespmem:s1], [sflag:$0x2], $0x80, v12, vm0, $0xb8;
	[tilespmem:$0x10300] =	vst v63  }
0xc9: {  	s22 =	simm.s32 $0xDB00  }
0xca: {  	[hbm4b:s6+s2] =	stream.indirect_vreg.scatter [tilespmem:s22], [sflag:$0x2], $0x80, v12, vm0, $0xb8;
	[tilespmem:$0x10300] =	vst v63  }
0xcb: {  	s1 =	simm.s32 $0xE300  }
0xcc: {  	[hbm4b:s3+s2] =	stream.indirect_vreg.scatter [tilespmem:s1], [sflag:$0x2], $0x80, v11, vm0, $0xb8;
	[tilespmem:$0x10300] =	vst v63  }
0xcd: {  	s22 =	simm.s32 $0xEB00  }
0xce: {  	[hbm4b:s4+s2] =	stream.indirect_vreg.scatter [tilespmem:s22], [sflag:$0x2], $0x80, v11, vm0, $0xb8;
	[tilespmem:$0x10300] =	vst v63  }
0xcf: {  	s1 =	simm.s32 $0xF300  }
0xd0: {  	[hbm4b:s5+s2] =	stream.indirect_vreg.scatter [tilespmem:s1], [sflag:$0x2], $0x80, v11, vm0, $0xb8;
	[tilespmem:$0x10300] =	vst v63  }
0xd1: {  	s22 =	simm.s32 $0xFB00;
	s1 =	simm.s32 $0x1  }
0xd2: {  	[hbm4b:s6+s2] =	stream.indirect_vreg.scatter [tilespmem:s22], [sflag:$0x2], $0x80, v11, vm0, $0xb8;
	[tilespmem:$0x10300] =	vst v63  }
0xd3: {  	p0 =	sne.s32 s7, $0x1;
	_ =	swait.ge [sflag:s1], $0x10000  }
.Ltmp0:
0xd4: {  	[sflag:s1] =	ssyncset.done $0x0;
	(pc) =	sbr.rel @p0 .LBB2_1-.Ltmp0, $4  }
0xd5: {  	s22 =	simm.s32 $0x2;
	[sflag:s1] =	ssyncadd.s32 $0xFFFF0000  }
0xd6: {  	_ =	swait.ge [sflag:s22], $0x10000  }
0xd7: {  	[sflag:s22] =	ssyncset.done $0x0  }
0xd8: {  	s7 =	sadd.s32 $0xFFFFFFFF, s7;
	[sflag:s22] =	ssyncadd.s32 $0xFFFF0000  }
0xd9: {  	_ =	sfence.sel $0x180000  }
0xda: {  	[bflag:$0x0] =	sbarrier.arrive $0xFFFF  }
0xdb: {  	_ =	strace $0x90000047  }
0xdc: {  	s0 =	stileid.u32;
	[bflag:$0x2] =	sbarrier.arrive $0xFFFF  }
0xdd: {  	p0 =	sne.s32 s0, $0x0;
	s0 =	rddreg [dreg:$0x2]  }
0xde: {  	s0 =	sadd.s32 @!p0 $0x100000, s0  }
0xdf: {  	[sflag:s0] =	ssyncadd.tile.s32 @!p0 $0x1;
	_ =	shalt  }
.Lfunc_end2:
_tile_overlayer_lowered:
.L_overlay_start_2:
0xe0: {  	(tag) =	ssettag $0x2  }
0xe1: {  	s0 =	rddreg [dreg:$0x0];
	s2 =	stileid.u32  }
0xe2: {  	s1 =	rddreg [dreg:$0x1];
	p0 =	sne.s32 s2, $0x0  }
0xe3: {  	s3 =	rddreg [dreg:$0x2];
	[bflag:$0x3] =	sbarrier.arrive $0xFFFF;
	s2 =	simm.s32 @!p0 $0x1C03  }
0xe4: {  	[timem:s3], [sflag:s2] =	dma.local @!p0 [hbm:s0], s1  }
0xe5: {  	s0 =	simm.s32 @!p0 $0x3  }
0xe6: {  	_ =	swait.ge @!p0 [sflag:s0], s1  }
0xe7: {  	s1 =	ssub.s32 @!p0 $0x0, s1;
	[sflag:s0] =	ssyncset.done @!p0 $0x0  }
0xe8: {  	[sflag:s0] =	ssyncadd.s32 @!p0 s1  }
0xe9: {  	[bflag:$0x3] =	sbarrier.arrive $0xFFFF  }
0xea: {  	_ =	shalt  }

</sc_bundles>
